<compile_context>
chip_gen: v7x
topology: tpu7x:2x2x1
jax: 0.10.2.dev20260603
libtpu: 0.0.44.dev20260713+nightly
codegen_flags: <defaults>
</compile_context>

<pallas_src>
import functools

import jax
import jax.numpy as jnp
import numpy as np
from jax import lax
from jax.experimental import pallas as pl
from jax.experimental.pallas import tpu as pltpu
from jax.experimental.pallas import tpu_sc as plsc

A = 128
E = 16
M = 32
N = 10000
NE = N * M
D = 2 * A
EPS = 1e-5
LOG2E = 1.4426950408889634

NCHUNKS = 2
NHALF = N // NCHUNKS
NEH = NHALF * M

NW = 32


def _softplus(x):
    return jnp.maximum(x, 0.0) + jnp.log(1.0 + jnp.exp(-jnp.abs(x)))


def _pack_halves(zf, zc):
    uf = jax.lax.bitcast_convert_type(zf, jnp.uint32)
    uc = jax.lax.bitcast_convert_type(zc, jnp.uint32)
    hi = (uf + np.uint32(0x8000)) & np.uint32(0xFFFF0000)
    lo = (uc + np.uint32(0x8000)) >> 16
    return hi | lo


def _unpack_halves(w):
    gf = jax.lax.bitcast_convert_type(w & np.uint32(0xFFFF0000), jnp.float32)
    gc = jax.lax.bitcast_convert_type(w << 16, jnp.float32)
    return gf, gc


def _prep_body(af_ref, w_ref, b_ref, a_ref, pn_ref):
    p = jnp.dot(af_ref[...], w_ref[...], preferred_element_type=jnp.float32)
    a_ref[...] = p[:, :D] + b_ref[...]
    pn = p[:, D:]
    pn_ref[...] = _pack_halves(pn[:, :A], pn[:, A:])


def _prep(atom_fea, w_cat, b2d):
    bn = 2000
    return pl.pallas_call(
        _prep_body,
        grid=(N // bn,),
        in_specs=[
            pl.BlockSpec((bn, A), lambda i: (i, 0)),
            pl.BlockSpec((A, 2 * D), lambda i: (0, 0)),
            pl.BlockSpec((1, D), lambda i: (0, 0)),
        ],
        out_specs=[
            pl.BlockSpec((bn, D), lambda i: (i, 0)),
            pl.BlockSpec((bn, A), lambda i: (i, 0)),
        ],
        out_shape=[
            jax.ShapeDtypeStruct((N, D), jnp.float32),
            jax.ShapeDtypeStruct((N, A), jnp.uint32),
        ],
    )(atom_fea, w_cat, b2d)


EPW = NEH // NW
KCH = 200
NCH = EPW // KCH


def _gather_body(idx_hbm, pn_hbm, out_hbm, idx_v, rows0, rows1, sem0, sem1):
    wid = lax.axis_index("s") * 2 + lax.axis_index("c")
    base = wid * EPW
    pltpu.sync_copy(idx_hbm.at[pl.ds(base, EPW)], idx_v)

    pltpu.async_copy(pn_hbm.at[idx_v.at[pl.ds(0, KCH)]], rows0, sem0)

    def pair(i, carry):
        c0 = 2 * i
        c1 = c0 + 1
        pltpu.async_copy(pn_hbm.at[idx_v.at[pl.ds(c1 * KCH, KCH)]], rows1, sem1)
        pltpu.make_async_copy(
            pn_hbm.at[idx_v.at[pl.ds(c0 * KCH, KCH)]], rows0, sem0
        ).wait()
        pltpu.sync_copy(rows0, out_hbm.at[pl.ds(base + c0 * KCH, KCH)])
        pltpu.async_copy(
            pn_hbm.at[idx_v.at[pl.ds((c0 + 2) * KCH, KCH)]], rows0, sem0
        )
        pltpu.make_async_copy(
            pn_hbm.at[idx_v.at[pl.ds(c1 * KCH, KCH)]], rows1, sem1
        ).wait()
        pltpu.sync_copy(rows1, out_hbm.at[pl.ds(base + c1 * KCH, KCH)])
        return carry

    lax.fori_loop(0, (NCH - 1) // 2, pair, 0)
    cL = NCH - 1
    pltpu.make_async_copy(
        pn_hbm.at[idx_v.at[pl.ds(cL * KCH, KCH)]], rows0, sem0
    ).wait()
    pltpu.sync_copy(rows0, out_hbm.at[pl.ds(base + cL * KCH, KCH)])


def _gather(idx_flat, pn):
    mesh = plsc.VectorSubcoreMesh(core_axis_name="c", subcore_axis_name="s")
    k = functools.partial(
        pl.kernel,
        out_type=jax.ShapeDtypeStruct((NEH, A), jnp.uint32),
        mesh=mesh,
        scratch_types=[
            pltpu.VMEM((EPW,), jnp.int32),
            pltpu.VMEM((KCH, A), jnp.uint32),
            pltpu.VMEM((KCH, A), jnp.uint32),
            pltpu.SemaphoreType.DMA,
            pltpu.SemaphoreType.DMA,
        ],
    )(_gather_body)
    return k(idx_flat, pn)


BN3 = 200
GRID3 = NHALF // BN3
BE3 = BN3 * M


def _make_stats(h):
    nb = h * (NHALF // BN3)

    def body(g_ref, nf_ref, a_ref, we_ref, s1_ref, s2_ref, acc1, acc2):
        gf, gc = _unpack_halves(g_ref[...])
        nf2 = jnp.reshape(nf_ref[...], (BE3, E))
        e = jnp.dot(nf2, we_ref[...], preferred_element_type=jnp.float32)
        a = a_ref[...]
        zf = jnp.reshape(
            gf + jnp.reshape(e[:, :A], (M, BN3, A)) + a[None, :, :A], (BE3, A))
        zc = jnp.reshape(
            gc + jnp.reshape(e[:, A:], (M, BN3, A)) + a[None, :, A:], (BE3, A))

        @pl.when(pl.program_id(0) == 0)
        def _():
            acc1[...] = jnp.zeros_like(acc1)
            acc2[...] = jnp.zeros_like(acc2)

        acc1[0:1, :] += jnp.sum(zf, axis=0, keepdims=True)
        acc1[1:2, :] += jnp.sum(zc, axis=0, keepdims=True)
        acc2[0:1, :] += jnp.sum(zf * zf, axis=0, keepdims=True)
        acc2[1:2, :] += jnp.sum(zc * zc, axis=0, keepdims=True)

        @pl.when(pl.program_id(0) == GRID3 - 1)
        def _():
            s1_ref[...] = acc1[...]
            s2_ref[...] = acc2[...]

    def call(g3, nft, a, we):
        return pl.pallas_call(
            body,
            grid=(GRID3,),
            in_specs=[
                pl.BlockSpec((M, BN3, A), lambda i: (0, i, 0)),
                pl.BlockSpec((M, BN3, E), lambda i: (0, i + nb, 0)),
                pl.BlockSpec((BN3, D), lambda i: (i + h * (NHALF // BN3), 0)),
                pl.BlockSpec((E, D), lambda i: (0, 0)),
            ],
            out_specs=[
                pl.BlockSpec((2, A), lambda i: (0, 0)),
                pl.BlockSpec((2, A), lambda i: (0, 0)),
            ],
            out_shape=[
                jax.ShapeDtypeStruct((2, A), jnp.float32),
                jax.ShapeDtypeStruct((2, A), jnp.float32),
            ],
            scratch_shapes=[
                pltpu.VMEM((2, A), jnp.float32),
                pltpu.VMEM((2, A), jnp.float32),
            ],
        )(g3, nft, a, we)

    return call


BN = 200
GRID4 = NHALF // BN
BE = BN * M


def _make_pass2(h):
    nb = h * (NHALF // BN)

    def body(g_ref, nf_ref, a_ref, we_ref, s1_ref, s2_ref, g1_ref, b1_ref,
             sm_ref, s3_ref, s4_ref, acc3, acc4):
        mu = s1_ref[...] * (1.0 / NE)
        var = s2_ref[...] * (1.0 / NE) - mu * mu
        s = g1_ref[...] * lax.rsqrt(var + EPS)
        t = b1_ref[...] - mu * s
        sx = jnp.concatenate([s[0:1, :] * (-LOG2E), s[1:2, :] * LOG2E], axis=1)
        tx = jnp.concatenate([t[0:1, :] * (-LOG2E), t[1:2, :] * LOG2E], axis=1)
        we_s = we_ref[...] * sx
        a2 = a_ref[...] * sx + tx

        gf, gc = _unpack_halves(g_ref[...])
        nf2 = jnp.reshape(nf_ref[...], (BE, E))
        e = jnp.dot(nf2, we_s, preferred_element_type=jnp.float32)
        yf3 = (gf * sx[:1, None, :A] + jnp.reshape(e[:, :A], (M, BN, A))
               + a2[None, :, :A])
        yc3 = (gc * sx[:1, None, A:] + jnp.reshape(e[:, A:], (M, BN, A))
               + a2[None, :, A:])
        prod = jnp.log2(1.0 + jnp.exp2(yc3)) / (1.0 + jnp.exp2(yf3))
        sm = jnp.sum(prod, axis=0)
        sm_ref[...] = sm

        @pl.when(pl.program_id(0) == 0)
        def _():
            acc3[...] = jnp.zeros_like(acc3)
            acc4[...] = jnp.zeros_like(acc4)

        acc3[...] += jnp.sum(sm, axis=0, keepdims=True)
        acc4[...] += jnp.sum(sm * sm, axis=0, keepdims=True)

        @pl.when(pl.program_id(0) == GRID4 - 1)
        def _():
            s3_ref[...] = acc3[...]
            s4_ref[...] = acc4[...]

    def call(g3, nft, a, we, s1, s2, g1, b1):
        return pl.pallas_call(
            body,
            grid=(GRID4,),
            in_specs=[
                pl.BlockSpec((M, BN, A), lambda i: (0, i, 0)),
                pl.BlockSpec((M, BN, E), lambda i: (0, i + nb, 0)),
                pl.BlockSpec((BN, D), lambda i: (i + h * (NHALF // BN), 0)),
                pl.BlockSpec((E, D), lambda i: (0, 0)),
                pl.BlockSpec((2, A), lambda i: (0, 0)),
                pl.BlockSpec((2, A), lambda i: (0, 0)),
                pl.BlockSpec((2, A), lambda i: (0, 0)),
                pl.BlockSpec((2, A), lambda i: (0, 0)),
            ],
            out_specs=[
                pl.BlockSpec((BN, A), lambda i: (i, 0)),
                pl.BlockSpec((1, A), lambda i: (0, 0)),
                pl.BlockSpec((1, A), lambda i: (0, 0)),
            ],
            out_shape=[
                jax.ShapeDtypeStruct((NHALF, A), jnp.float32),
                jax.ShapeDtypeStruct((1, A), jnp.float32),
                jax.ShapeDtypeStruct((1, A), jnp.float32),
            ],
            scratch_shapes=[
                pltpu.VMEM((1, A), jnp.float32),
                pltpu.VMEM((1, A), jnp.float32),
            ],
        )(g3, nft, a, we, s1, s2, g1, b1)

    return call


def _final_body(sm_ref, af_ref, s3_ref, s4_ref, g2_ref, b2_ref, out_ref):
    mu = s3_ref[...] * (1.0 / N)
    var = s4_ref[...] * (1.0 / N) - mu * mu
    s = g2_ref[...] * lax.rsqrt(var + EPS)
    t = b2_ref[...] - mu * s
    out_ref[...] = _softplus(af_ref[...] + sm_ref[...] * s + t)


def _final(sm, atom_fea, s3, s4, g2, b2):
    bn5 = 2000
    return pl.pallas_call(
        _final_body,
        grid=(N // bn5,),
        in_specs=[
            pl.BlockSpec((bn5, A), lambda i: (i, 0)),
            pl.BlockSpec((bn5, A), lambda i: (i, 0)),
            pl.BlockSpec((1, A), lambda i: (0, 0)),
            pl.BlockSpec((1, A), lambda i: (0, 0)),
            pl.BlockSpec((1, A), lambda i: (0, 0)),
            pl.BlockSpec((1, A), lambda i: (0, 0)),
        ],
        out_specs=pl.BlockSpec((bn5, A), lambda i: (i, 0)),
        out_shape=jax.ShapeDtypeStruct((N, A), jnp.float32),
    )(sm, atom_fea, s3, s4, g2, b2)


def kernel(atom_fea, nbr_fea, nbr_fea_idx, W_full, b_full,
           gamma1, beta1, gamma2, beta2):
    w_cat = jnp.concatenate([W_full[:A], W_full[A:2 * A]], axis=1)
    we = W_full[2 * A:]
    b2d = b_full[None, :]
    g1 = gamma1.reshape(2, A)
    b1 = beta1.reshape(2, A)
    g2 = gamma2[None, :]
    bt2 = beta2[None, :]

    a, pn = _prep(atom_fea, w_cat, b2d)
    idx_t = jnp.transpose(nbr_fea_idx).astype(jnp.int32)
    nft = jnp.transpose(nbr_fea, (1, 0, 2))

    g3s, s1s, s2s = [], [], []
    for h in range(NCHUNKS):
        idx_h = lax.slice(idx_t, (0, h * NHALF), (M, (h + 1) * NHALF))
        g3 = _gather(idx_h.reshape(-1), pn).reshape(M, NHALF, A)
        s1h, s2h = _make_stats(h)(g3, nft, a, we)
        g3s.append(g3)
        s1s.append(s1h)
        s2s.append(s2h)
    s1 = sum(s1s[1:], s1s[0])
    s2 = sum(s2s[1:], s2s[0])

    sms, s3s, s4s = [], [], []
    for h in range(NCHUNKS):
        smh, s3h, s4h = _make_pass2(h)(g3s[h], nft, a, we, s1, s2, g1, b1)
        sms.append(smh)
        s3s.append(s3h)
        s4s.append(s4h)
    sm = jnp.concatenate(sms, axis=0)
    s3 = sum(s3s[1:], s3s[0])
    s4 = sum(s4s[1:], s4s[0])
    return _final(sm, atom_fea, s3, s4, g2, bt2)

# --- scband reference (transcript-rebuilt; emitter-appended) ---
"""Pipeline reference for scband-ogcnnconv-layer-21345987461318 (READ-ONLY COPY).

The authoritative reference and input builder live on the scoring server;
editing this copy changes nothing except your own understanding.
"""

import jax, jax.numpy as jnp
import numpy as np

ATOM_FEA_LEN = 128
NBR_FEA_LEN = 16
N_NODES = 10000
M_NBR = 32
EPS = 1e-5


def _softplus(x):
    return jax.nn.softplus(x)


def _batch_norm(x, gamma, beta):
    # Training-mode BatchNorm1d: biased batch statistics over dim 0
    mu = jnp.mean(x, axis=0)
    var = jnp.var(x, axis=0)
    return gamma * (x - mu) / jnp.sqrt(var + EPS) + beta


def setup_inputs(seed: int = 0) -> dict:
    key = jax.random.key(seed)
    k1, k2, k3, k4, k5 = jax.random.split(key, 5)
    A, E = ATOM_FEA_LEN, NBR_FEA_LEN
    atom_fea = jax.random.normal(k1, (N_NODES, A), dtype=jnp.float32)
    nbr_fea = jax.random.normal(k2, (N_NODES, M_NBR, E), dtype=jnp.float32)
    nbr_fea_idx = jax.random.randint(k3, (N_NODES, M_NBR), 0, N_NODES, dtype=jnp.int64 if jax.config.jax_enable_x64 else jnp.int32).astype(jnp.int32)
    in_dim = 2 * A + E
    out_dim = 2 * A
    bound = 1.0 / np.sqrt(in_dim)
    W_full = jax.random.uniform(k4, (in_dim, out_dim), dtype=jnp.float32, minval=-bound, maxval=bound)
    b_full = jax.random.uniform(k5, (out_dim,), dtype=jnp.float32, minval=-bound, maxval=bound)
    gamma1 = jnp.ones((out_dim,), dtype=jnp.float32)
    beta1 = jnp.zeros((out_dim,), dtype=jnp.float32)
    gamma2 = jnp.ones((A,), dtype=jnp.float32)
    beta2 = jnp.zeros((A,), dtype=jnp.float32)
    return {
        'atom_fea': atom_fea,
        'nbr_fea': nbr_fea,
        'nbr_fea_idx': nbr_fea_idx,
        'W_full': W_full,
        'b_full': b_full,
        'gamma1': gamma1,
        'beta1': beta1,
        'gamma2': gamma2,
        'beta2': beta2,
    }


def reference(atom_fea, nbr_fea, nbr_fea_idx, W_full, b_full, gamma1, beta1, gamma2, beta2):
    N, M = nbr_fea_idx.shape
    A = ATOM_FEA_LEN
    # gather neighbor atom features
    atom_nbr_fea = jnp.take(atom_fea, nbr_fea_idx.reshape(-1), axis=0).reshape(N, M, A)
    self_fea = jnp.broadcast_to(atom_fea[:, None, :], (N, M, A))
    total = jnp.concatenate([self_fea, atom_nbr_fea, nbr_fea], axis=2)
    z = total.reshape(-1, total.shape[-1]) @ W_full + b_full
    gated = _batch_norm(z, gamma1, beta1).reshape(N, M, 2 * A)
    f = gated[:, :, :A]
    c = gated[:, :, A:]
    summed = jnp.sum(jax.nn.sigmoid(f) * _softplus(c), axis=1)
    out = _batch_norm(summed, gamma2, beta2)
    return _softplus(atom_fea + out)

if __name__ == "__main__":
    import jax
    _d = setup_inputs()
    print(jax.jit(kernel)(*tuple(_d.values())))

</pallas_src>

<mosaic_0001>
#map = affine_map<(d0, d1) -> (0)>
#map1 = affine_map<(d0, d1) -> (0, 0)>
module attributes {stable_mosaic.version = 14 : i64} {
  func.func @_gather_body(%arg0: i32, %arg1: i32, %arg2: memref<160000xi32, #tpu.memory_space<hbm>>, %arg3: memref<10000x128xi32, #tpu.memory_space<hbm>>, %arg4: memref<160000x128xi32, #tpu.memory_space<hbm>>, %arg5: memref<5000xi32, #tpu.memory_space<vmem>>, %arg6: memref<200x128xi32, #tpu.memory_space<vmem>>, %arg7: memref<200x128xi32, #tpu.memory_space<vmem>>, %arg8: memref<!tpu.dma_semaphore, #tpu.memory_space<semaphore_mem>>, %arg9: memref<!tpu.dma_semaphore, #tpu.memory_space<semaphore_mem>>) attributes {dimension_semantics = [#tpu.dimension_semantics<core_parallel>, #tpu.dimension_semantics<subcore_parallel>], iteration_bounds = array<i64: 2, 16>, scalar_prefetch = 0 : i64, scratch_operands = 5 : i64, tpu.core_type = #tpu.core_type<sc_vector_subcore>, window_params = [{transform_indices = #map}, {transform_indices = #map1}, {transform_indices = #map1}]} {
    %mul3A = arith.constant 2 : i32
    %mul3A_0 = arith.muli %arg1, %mul3A : i32
    %add3A = arith.addi %mul3A_0, %arg0 : i32
    %mul3A_1 = arith.constant 5000 : i32
    %mul3A_2 = arith.muli %add3A, %mul3A_1 : i32
    "tpu.region"() ({
      %run_scoped3A = tpu.sem_alloc : memref<!tpu.dma_semaphore, #tpu.memory_space<semaphore_mem>>
      %dma_start3A_18 = tpu.memref_slice %arg2[%mul3A_2] : memref<160000xi32, #tpu.memory_space<hbm>> -> memref<5000xi32, #tpu.memory_space<hbm>>
      %dma_start3A_19 = tpu.memref_slice %arg2[%mul3A_2] : memref<160000xi32, #tpu.memory_space<hbm>> -> memref<5000xi32, #tpu.memory_space<hbm>>
      tpu.enqueue_dma source(%dma_start3A_19 : memref<5000xi32, #tpu.memory_space<hbm>>) target(%arg5 : memref<5000xi32, #tpu.memory_space<vmem>>) target_semaphore(%run_scoped3A : memref<!tpu.dma_semaphore, #tpu.memory_space<semaphore_mem>>)
      %dma_wait3A_20 = tpu.memref_slice %arg2[%mul3A_2] : memref<160000xi32, #tpu.memory_space<hbm>> -> memref<5000xi32, #tpu.memory_space<hbm>>
      %dma_wait3A_21 = tpu.memref_slice %arg2[%mul3A_2] : memref<160000xi32, #tpu.memory_space<hbm>> -> memref<5000xi32, #tpu.memory_space<hbm>>
      tpu.wait_dma2 semaphore(%run_scoped3A : memref<!tpu.dma_semaphore, #tpu.memory_space<semaphore_mem>>) src(%dma_wait3A_21 : memref<5000xi32, #tpu.memory_space<hbm>>) dst(%arg5 : memref<5000xi32, #tpu.memory_space<vmem>>)
      tpu.yield
    }) : () -> ()
    %dma_start3A = arith.constant 0 : i32
    %dma_start3A_3 = tpu.memref_slice %arg5[%dma_start3A] : memref<5000xi32, #tpu.memory_space<vmem>> -> memref<200xi32, #tpu.memory_space<vmem>>
    %dma_start3A_4 = arith.constant 0 : i32
    %dma_start3A_5 = arith.constant 0 : i32
    %dma_start3A_6 = tpu.memref_slice %arg3[%dma_start3A_4, %dma_start3A_5] : memref<10000x128xi32, #tpu.memory_space<hbm>> -> memref<10000x128xi32, #tpu.memory_space<hbm>>
    tpu.enqueue_indirect_dma source(%dma_start3A_6 : memref<10000x128xi32, #tpu.memory_space<hbm>>) target(%arg6 : memref<200x128xi32, #tpu.memory_space<vmem>>) offsets(%dma_start3A_3 : memref<200xi32, #tpu.memory_space<vmem>>) semaphore(%arg8 : memref<!tpu.dma_semaphore, #tpu.memory_space<semaphore_mem>>)
    %scan3A = arith.constant 0 : i32
    %scan3A_7 = arith.constant 0 : i32
    %scan3A_8 = arith.constant 12 : i32
    %scan3A_9 = arith.addi %scan3A_7, %scan3A_8 : i32
    %scan3A_10 = arith.constant 1 : i32
    scf.for %scan3A_18 = %scan3A_7 to %scan3A_9 step %scan3A_10  : i32 {
      %mul3A_19 = arith.constant 2 : i32
      %mul3A_20 = arith.muli %mul3A_19, %scan3A_18 : i32
      %add3A_21 = arith.constant 1 : i32
      %add3A_22 = arith.addi %mul3A_20, %add3A_21 : i32
      %mul3A_23 = arith.constant 200 : i32
      %mul3A_24 = arith.muli %add3A_22, %mul3A_23 : i32
      %dma_start3A_25 = tpu.memref_slice %arg5[%mul3A_24] : memref<5000xi32, #tpu.memory_space<vmem>> -> memref<200xi32, #tpu.memory_space<vmem>>
      %dma_start3A_26 = arith.constant 0 : i32
      %dma_start3A_27 = arith.constant 0 : i32
      %dma_start3A_28 = tpu.memref_slice %arg3[%dma_start3A_26, %dma_start3A_27] : memref<10000x128xi32, #tpu.memory_space<hbm>> -> memref<10000x128xi32, #tpu.memory_space<hbm>>
      tpu.enqueue_indirect_dma source(%dma_start3A_28 : memref<10000x128xi32, #tpu.memory_space<hbm>>) target(%arg7 : memref<200x128xi32, #tpu.memory_space<vmem>>) offsets(%dma_start3A_25 : memref<200xi32, #tpu.memory_space<vmem>>) semaphore(%arg9 : memref<!tpu.dma_semaphore, #tpu.memory_space<semaphore_mem>>)
      %mul3A_29 = arith.constant 200 : i32
      %mul3A_30 = arith.muli %mul3A_20, %mul3A_29 : i32
      %dma_wait3A_31 = tpu.memref_slice %arg5[%mul3A_30] : memref<5000xi32, #tpu.memory_space<vmem>> -> memref<200xi32, #tpu.memory_space<vmem>>
      %dma_wait3A_32 = arith.constant 0 : i32
      %dma_wait3A_33 = arith.constant 0 : i32
      %dma_wait3A_34 = tpu.memref_slice %arg3[%dma_wait3A_32, %dma_wait3A_33] : memref<10000x128xi32, #tpu.memory_space<hbm>> -> memref<10000x128xi32, #tpu.memory_space<hbm>>
      tpu.wait_indirect_dma semaphore(%arg8 : memref<!tpu.dma_semaphore, #tpu.memory_space<semaphore_mem>>) src(%dma_wait3A_34 : memref<10000x128xi32, #tpu.memory_space<hbm>>) dst(%arg6 : memref<200x128xi32, #tpu.memory_space<vmem>>)
      %mul3A_35 = arith.constant 200 : i32
      %mul3A_36 = arith.muli %mul3A_20, %mul3A_35 : i32
      %add3A_37 = arith.addi %mul3A_2, %mul3A_36 : i32
      "tpu.region"() ({
        %run_scoped3A = tpu.sem_alloc : memref<!tpu.dma_semaphore, #tpu.memory_space<semaphore_mem>>
        %dma_start3A_55 = arith.constant 0 : i32
        %dma_start3A_56 = tpu.memref_slice %arg4[%add3A_37, %dma_start3A_55] : memref<160000x128xi32, #tpu.memory_space<hbm>> -> memref<200x128xi32, #tpu.memory_space<hbm>>
        %dma_start3A_57 = arith.constant 0 : i32
        %dma_start3A_58 = tpu.memref_slice %arg4[%add3A_37, %dma_start3A_57] : memref<160000x128xi32, #tpu.memory_space<hbm>> -> memref<200x128xi32, #tpu.memory_space<hbm>>
        tpu.enqueue_dma source(%arg6 : memref<200x128xi32, #tpu.memory_space<vmem>>) target(%dma_start3A_58 : memref<200x128xi32, #tpu.memory_space<hbm>>) target_semaphore(%run_scoped3A : memref<!tpu.dma_semaphore, #tpu.memory_space<semaphore_mem>>)
        %dma_wait3A_59 = arith.constant 0 : i32
        %dma_wait3A_60 = tpu.memref_slice %arg4[%add3A_37, %dma_wait3A_59] : memref<160000x128xi32, #tpu.memory_space<hbm>> -> memref<200x128xi32, #tpu.memory_space<hbm>>
        %dma_wait3A_61 = arith.constant 0 : i32
        %dma_wait3A_62 = tpu.memref_slice %arg4[%add3A_37, %dma_wait3A_61] : memref<160000x128xi32, #tpu.memory_space<hbm>> -> memref<200x128xi32, #tpu.memory_space<hbm>>
        tpu.wait_dma2 semaphore(%run_scoped3A : memref<!tpu.dma_semaphore, #tpu.memory_space<semaphore_mem>>) src(%arg6 : memref<200x128xi32, #tpu.memory_space<vmem>>) dst(%dma_wait3A_62 : memref<200x128xi32, #tpu.memory_space<hbm>>)
        tpu.yield
      }) : () -> ()
      %add3A_38 = arith.constant 2 : i32
      %add3A_39 = arith.addi %mul3A_20, %add3A_38 : i32
      %mul3A_40 = arith.constant 200 : i32
      %mul3A_41 = arith.muli %add3A_39, %mul3A_40 : i32
      %dma_start3A_42 = tpu.memref_slice %arg5[%mul3A_41] : memref<5000xi32, #tpu.memory_space<vmem>> -> memref<200xi32, #tpu.memory_space<vmem>>
      %dma_start3A_43 = arith.constant 0 : i32
      %dma_start3A_44 = arith.constant 0 : i32
      %dma_start3A_45 = tpu.memref_slice %arg3[%dma_start3A_43, %dma_start3A_44] : memref<10000x128xi32, #tpu.memory_space<hbm>> -> memref<10000x128xi32, #tpu.memory_space<hbm>>
      tpu.enqueue_indirect_dma source(%dma_start3A_45 : memref<10000x128xi32, #tpu.memory_space<hbm>>) target(%arg6 : memref<200x128xi32, #tpu.memory_space<vmem>>) offsets(%dma_start3A_42 : memref<200xi32, #tpu.memory_space<vmem>>) semaphore(%arg8 : memref<!tpu.dma_semaphore, #tpu.memory_space<semaphore_mem>>)
      %mul3A_46 = arith.constant 200 : i32
      %mul3A_47 = arith.muli %add3A_22, %mul3A_46 : i32
      %dma_wait3A_48 = tpu.memref_slice %arg5[%mul3A_47] : memref<5000xi32, #tpu.memory_space<vmem>> -> memref<200xi32, #tpu.memory_space<vmem>>
      %dma_wait3A_49 = arith.constant 0 : i32
      %dma_wait3A_50 = arith.constant 0 : i32
      %dma_wait3A_51 = tpu.memref_slice %arg3[%dma_wait3A_49, %dma_wait3A_50] : memref<10000x128xi32, #tpu.memory_space<hbm>> -> memref<10000x128xi32, #tpu.memory_space<hbm>>
      tpu.wait_indirect_dma semaphore(%arg9 : memref<!tpu.dma_semaphore, #tpu.memory_space<semaphore_mem>>) src(%dma_wait3A_51 : memref<10000x128xi32, #tpu.memory_space<hbm>>) dst(%arg7 : memref<200x128xi32, #tpu.memory_space<vmem>>)
      %mul3A_52 = arith.constant 200 : i32
      %mul3A_53 = arith.muli %add3A_22, %mul3A_52 : i32
      %add3A_54 = arith.addi %mul3A_2, %mul3A_53 : i32
      "tpu.region"() ({
        %run_scoped3A = tpu.sem_alloc : memref<!tpu.dma_semaphore, #tpu.memory_space<semaphore_mem>>
        %dma_start3A_55 = arith.constant 0 : i32
        %dma_start3A_56 = tpu.memref_slice %arg4[%add3A_54, %dma_start3A_55] : memref<160000x128xi32, #tpu.memory_space<hbm>> -> memref<200x128xi32, #tpu.memory_space<hbm>>
        %dma_start3A_57 = arith.constant 0 : i32
        %dma_start3A_58 = tpu.memref_slice %arg4[%add3A_54, %dma_start3A_57] : memref<160000x128xi32, #tpu.memory_space<hbm>> -> memref<200x128xi32, #tpu.memory_space<hbm>>
        tpu.enqueue_dma source(%arg7 : memref<200x128xi32, #tpu.memory_space<vmem>>) target(%dma_start3A_58 : memref<200x128xi32, #tpu.memory_space<hbm>>) target_semaphore(%run_scoped3A : memref<!tpu.dma_semaphore, #tpu.memory_space<semaphore_mem>>)
        %dma_wait3A_59 = arith.constant 0 : i32
        %dma_wait3A_60 = tpu.memref_slice %arg4[%add3A_54, %dma_wait3A_59] : memref<160000x128xi32, #tpu.memory_space<hbm>> -> memref<200x128xi32, #tpu.memory_space<hbm>>
        %dma_wait3A_61 = arith.constant 0 : i32
        %dma_wait3A_62 = tpu.memref_slice %arg4[%add3A_54, %dma_wait3A_61] : memref<160000x128xi32, #tpu.memory_space<hbm>> -> memref<200x128xi32, #tpu.memory_space<hbm>>
        tpu.wait_dma2 semaphore(%run_scoped3A : memref<!tpu.dma_semaphore, #tpu.memory_space<semaphore_mem>>) src(%arg7 : memref<200x128xi32, #tpu.memory_space<vmem>>) dst(%dma_wait3A_62 : memref<200x128xi32, #tpu.memory_space<hbm>>)
        tpu.yield
      }) : () -> ()
    }
    %scan3A_11 = arith.constant 12 : i32
    %dma_wait3A = arith.constant 4800 : i32
    %dma_wait3A_12 = tpu.memref_slice %arg5[%dma_wait3A] : memref<5000xi32, #tpu.memory_space<vmem>> -> memref<200xi32, #tpu.memory_space<vmem>>
    %dma_wait3A_13 = arith.constant 0 : i32
    %dma_wait3A_14 = arith.constant 0 : i32
    %dma_wait3A_15 = tpu.memref_slice %arg3[%dma_wait3A_13, %dma_wait3A_14] : memref<10000x128xi32, #tpu.memory_space<hbm>> -> memref<10000x128xi32, #tpu.memory_space<hbm>>
    tpu.wait_indirect_dma semaphore(%arg8 : memref<!tpu.dma_semaphore, #tpu.memory_space<semaphore_mem>>) src(%dma_wait3A_15 : memref<10000x128xi32, #tpu.memory_space<hbm>>) dst(%arg6 : memref<200x128xi32, #tpu.memory_space<vmem>>)
    %add3A_16 = arith.constant 4800 : i32
    %add3A_17 = arith.addi %mul3A_2, %add3A_16 : i32
    "tpu.region"() ({
      %run_scoped3A = tpu.sem_alloc : memref<!tpu.dma_semaphore, #tpu.memory_space<semaphore_mem>>
      %dma_start3A_18 = arith.constant 0 : i32
      %dma_start3A_19 = tpu.memref_slice %arg4[%add3A_17, %dma_start3A_18] : memref<160000x128xi32, #tpu.memory_space<hbm>> -> memref<200x128xi32, #tpu.memory_space<hbm>>
      %dma_start3A_20 = arith.constant 0 : i32
      %dma_start3A_21 = tpu.memref_slice %arg4[%add3A_17, %dma_start3A_20] : memref<160000x128xi32, #tpu.memory_space<hbm>> -> memref<200x128xi32, #tpu.memory_space<hbm>>
      tpu.enqueue_dma source(%arg6 : memref<200x128xi32, #tpu.memory_space<vmem>>) target(%dma_start3A_21 : memref<200x128xi32, #tpu.memory_space<hbm>>) target_semaphore(%run_scoped3A : memref<!tpu.dma_semaphore, #tpu.memory_space<semaphore_mem>>)
      %dma_wait3A_22 = arith.constant 0 : i32
      %dma_wait3A_23 = tpu.memref_slice %arg4[%add3A_17, %dma_wait3A_22] : memref<160000x128xi32, #tpu.memory_space<hbm>> -> memref<200x128xi32, #tpu.memory_space<hbm>>
      %dma_wait3A_24 = arith.constant 0 : i32
      %dma_wait3A_25 = tpu.memref_slice %arg4[%add3A_17, %dma_wait3A_24] : memref<160000x128xi32, #tpu.memory_space<hbm>> -> memref<200x128xi32, #tpu.memory_space<hbm>>
      tpu.wait_dma2 semaphore(%run_scoped3A : memref<!tpu.dma_semaphore, #tpu.memory_space<semaphore_mem>>) src(%arg6 : memref<200x128xi32, #tpu.memory_space<vmem>>) dst(%dma_wait3A_25 : memref<200x128xi32, #tpu.memory_space<hbm>>)
      tpu.yield
    }) : () -> ()
    return
  }
}

#map = affine_map<(d0, d1) -> (0)>
#map1 = affine_map<(d0, d1) -> (0, 0)>
module attributes {stable_mosaic.version = 14 : i64} {
  func.func @_gather_body(%arg0: i32, %arg1: i32, %arg2: memref<160000xi32, #tpu.memory_space<hbm>>, %arg3: memref<10000x128xi32, #tpu.memory_space<hbm>>, %arg4: memref<160000x128xi32, #tpu.memory_space<hbm>>, %arg5: memref<5000xi32, #tpu.memory_space<vmem>>, %arg6: memref<200x128xi32, #tpu.memory_space<vmem>>, %arg7: memref<200x128xi32, #tpu.memory_space<vmem>>, %arg8: memref<!tpu.dma_semaphore, #tpu.memory_space<semaphore_mem>>, %arg9: memref<!tpu.dma_semaphore, #tpu.memory_space<semaphore_mem>>) attributes {dimension_semantics = [#tpu.dimension_semantics<core_parallel>, #tpu.dimension_semantics<subcore_parallel>], iteration_bounds = array<i64: 2, 16>, scalar_prefetch = 0 : i64, scratch_operands = 5 : i64, tpu.core_type = #tpu.core_type<sc_vector_subcore>, window_params = [{transform_indices = #map}, {transform_indices = #map1}, {transform_indices = #map1}]} {
    %mul3A = arith.constant 2 : i32
    %mul3A_0 = arith.muli %arg1, %mul3A : i32
    %add3A = arith.addi %mul3A_0, %arg0 : i32
    %mul3A_1 = arith.constant 5000 : i32
    %mul3A_2 = arith.muli %add3A, %mul3A_1 : i32
    "tpu.region"() ({
      %run_scoped3A = tpu.sem_alloc : memref<!tpu.dma_semaphore, #tpu.memory_space<semaphore_mem>>
      %dma_start3A_18 = tpu.memref_slice %arg2[%mul3A_2] : memref<160000xi32, #tpu.memory_space<hbm>> -> memref<5000xi32, #tpu.memory_space<hbm>>
      %dma_start3A_19 = tpu.memref_slice %arg2[%mul3A_2] : memref<160000xi32, #tpu.memory_space<hbm>> -> memref<5000xi32, #tpu.memory_space<hbm>>
      tpu.enqueue_dma source(%dma_start3A_19 : memref<5000xi32, #tpu.memory_space<hbm>>) target(%arg5 : memref<5000xi32, #tpu.memory_space<vmem>>) target_semaphore(%run_scoped3A : memref<!tpu.dma_semaphore, #tpu.memory_space<semaphore_mem>>)
      %dma_wait3A_20 = tpu.memref_slice %arg2[%mul3A_2] : memref<160000xi32, #tpu.memory_space<hbm>> -> memref<5000xi32, #tpu.memory_space<hbm>>
      %dma_wait3A_21 = tpu.memref_slice %arg2[%mul3A_2] : memref<160000xi32, #tpu.memory_space<hbm>> -> memref<5000xi32, #tpu.memory_space<hbm>>
      tpu.wait_dma2 semaphore(%run_scoped3A : memref<!tpu.dma_semaphore, #tpu.memory_space<semaphore_mem>>) src(%dma_wait3A_21 : memref<5000xi32, #tpu.memory_space<hbm>>) dst(%arg5 : memref<5000xi32, #tpu.memory_space<vmem>>)
      tpu.yield
    }) : () -> ()
    %dma_start3A = arith.constant 0 : i32
    %dma_start3A_3 = tpu.memref_slice %arg5[%dma_start3A] : memref<5000xi32, #tpu.memory_space<vmem>> -> memref<200xi32, #tpu.memory_space<vmem>>
    %dma_start3A_4 = arith.constant 0 : i32
    %dma_start3A_5 = arith.constant 0 : i32
    %dma_start3A_6 = tpu.memref_slice %arg3[%dma_start3A_4, %dma_start3A_5] : memref<10000x128xi32, #tpu.memory_space<hbm>> -> memref<10000x128xi32, #tpu.memory_space<hbm>>
    tpu.enqueue_indirect_dma source(%dma_start3A_6 : memref<10000x128xi32, #tpu.memory_space<hbm>>) target(%arg6 : memref<200x128xi32, #tpu.memory_space<vmem>>) offsets(%dma_start3A_3 : memref<200xi32, #tpu.memory_space<vmem>>) semaphore(%arg8 : memref<!tpu.dma_semaphore, #tpu.memory_space<semaphore_mem>>)
    %scan3A = arith.constant 0 : i32
    %scan3A_7 = arith.constant 0 : i32
    %scan3A_8 = arith.constant 12 : i32
    %scan3A_9 = arith.addi %scan3A_7, %scan3A_8 : i32
    %scan3A_10 = arith.constant 1 : i32
    scf.for %scan3A_18 = %scan3A_7 to %scan3A_9 step %scan3A_10  : i32 {
      %mul3A_19 = arith.constant 2 : i32
      %mul3A_20 = arith.muli %mul3A_19, %scan3A_18 : i32
      %add3A_21 = arith.constant 1 : i32
      %add3A_22 = arith.addi %mul3A_20, %add3A_21 : i32
      %mul3A_23 = arith.constant 200 : i32
      %mul3A_24 = arith.muli %add3A_22, %mul3A_23 : i32
      %dma_start3A_25 = tpu.memref_slice %arg5[%mul3A_24] : memref<5000xi32, #tpu.memory_space<vmem>> -> memref<200xi32, #tpu.memory_space<vmem>>
      %dma_start3A_26 = arith.constant 0 : i32
      %dma_start3A_27 = arith.constant 0 : i32
      %dma_start3A_28 = tpu.memref_slice %arg3[%dma_start3A_26, %dma_start3A_27] : memref<10000x128xi32, #tpu.memory_space<hbm>> -> memref<10000x128xi32, #tpu.memory_space<hbm>>
      tpu.enqueue_indirect_dma source(%dma_start3A_28 : memref<10000x128xi32, #tpu.memory_space<hbm>>) target(%arg7 : memref<200x128xi32, #tpu.memory_space<vmem>>) offsets(%dma_start3A_25 : memref<200xi32, #tpu.memory_space<vmem>>) semaphore(%arg9 : memref<!tpu.dma_semaphore, #tpu.memory_space<semaphore_mem>>)
      %mul3A_29 = arith.constant 200 : i32
      %mul3A_30 = arith.muli %mul3A_20, %mul3A_29 : i32
      %dma_wait3A_31 = tpu.memref_slice %arg5[%mul3A_30] : memref<5000xi32, #tpu.memory_space<vmem>> -> memref<200xi32, #tpu.memory_space<vmem>>
      %dma_wait3A_32 = arith.constant 0 : i32
      %dma_wait3A_33 = arith.constant 0 : i32
      %dma_wait3A_34 = tpu.memref_slice %arg3[%dma_wait3A_32, %dma_wait3A_33] : memref<10000x128xi32, #tpu.memory_space<hbm>> -> memref<10000x128xi32, #tpu.memory_space<hbm>>
      tpu.wait_indirect_dma semaphore(%arg8 : memref<!tpu.dma_semaphore, #tpu.memory_space<semaphore_mem>>) src(%dma_wait3A_34 : memref<10000x128xi32, #tpu.memory_space<hbm>>) dst(%arg6 : memref<200x128xi32, #tpu.memory_space<vmem>>)
      %mul3A_35 = arith.constant 200 : i32
      %mul3A_36 = arith.muli %mul3A_20, %mul3A_35 : i32
      %add3A_37 = arith.addi %mul3A_2, %mul3A_36 : i32
      "tpu.region"() ({
        %run_scoped3A = tpu.sem_alloc : memref<!tpu.dma_semaphore, #tpu.memory_space<semaphore_mem>>
        %dma_start3A_55 = arith.constant 0 : i32
        %dma_start3A_56 = tpu.memref_slice %arg4[%add3A_37, %dma_start3A_55] : memref<160000x128xi32, #tpu.memory_space<hbm>> -> memref<200x128xi32, #tpu.memory_space<hbm>>
        %dma_start3A_57 = arith.constant 0 : i32
        %dma_start3A_58 = tpu.memref_slice %arg4[%add3A_37, %dma_start3A_57] : memref<160000x128xi32, #tpu.memory_space<hbm>> -> memref<200x128xi32, #tpu.memory_space<hbm>>
        tpu.enqueue_dma source(%arg6 : memref<200x128xi32, #tpu.memory_space<vmem>>) target(%dma_start3A_58 : memref<200x128xi32, #tpu.memory_space<hbm>>) target_semaphore(%run_scoped3A : memref<!tpu.dma_semaphore, #tpu.memory_space<semaphore_mem>>)
        %dma_wait3A_59 = arith.constant 0 : i32
        %dma_wait3A_60 = tpu.memref_slice %arg4[%add3A_37, %dma_wait3A_59] : memref<160000x128xi32, #tpu.memory_space<hbm>> -> memref<200x128xi32, #tpu.memory_space<hbm>>
        %dma_wait3A_61 = arith.constant 0 : i32
        %dma_wait3A_62 = tpu.memref_slice %arg4[%add3A_37, %dma_wait3A_61] : memref<160000x128xi32, #tpu.memory_space<hbm>> -> memref<200x128xi32, #tpu.memory_space<hbm>>
        tpu.wait_dma2 semaphore(%run_scoped3A : memref<!tpu.dma_semaphore, #tpu.memory_space<semaphore_mem>>) src(%arg6 : memref<200x128xi32, #tpu.memory_space<vmem>>) dst(%dma_wait3A_62 : memref<200x128xi32, #tpu.memory_space<hbm>>)
        tpu.yield
      }) : () -> ()
      %add3A_38 = arith.constant 2 : i32
      %add3A_39 = arith.addi %mul3A_20, %add3A_38 : i32
      %mul3A_40 = arith.constant 200 : i32
      %mul3A_41 = arith.muli %add3A_39, %mul3A_40 : i32
      %dma_start3A_42 = tpu.memref_slice %arg5[%mul3A_41] : memref<5000xi32, #tpu.memory_space<vmem>> -> memref<200xi32, #tpu.memory_space<vmem>>
      %dma_start3A_43 = arith.constant 0 : i32
      %dma_start3A_44 = arith.constant 0 : i32
      %dma_start3A_45 = tpu.memref_slice %arg3[%dma_start3A_43, %dma_start3A_44] : memref<10000x128xi32, #tpu.memory_space<hbm>> -> memref<10000x128xi32, #tpu.memory_space<hbm>>
      tpu.enqueue_indirect_dma source(%dma_start3A_45 : memref<10000x128xi32, #tpu.memory_space<hbm>>) target(%arg6 : memref<200x128xi32, #tpu.memory_space<vmem>>) offsets(%dma_start3A_42 : memref<200xi32, #tpu.memory_space<vmem>>) semaphore(%arg8 : memref<!tpu.dma_semaphore, #tpu.memory_space<semaphore_mem>>)
      %mul3A_46 = arith.constant 200 : i32
      %mul3A_47 = arith.muli %add3A_22, %mul3A_46 : i32
      %dma_wait3A_48 = tpu.memref_slice %arg5[%mul3A_47] : memref<5000xi32, #tpu.memory_space<vmem>> -> memref<200xi32, #tpu.memory_space<vmem>>
      %dma_wait3A_49 = arith.constant 0 : i32
      %dma_wait3A_50 = arith.constant 0 : i32
      %dma_wait3A_51 = tpu.memref_slice %arg3[%dma_wait3A_49, %dma_wait3A_50] : memref<10000x128xi32, #tpu.memory_space<hbm>> -> memref<10000x128xi32, #tpu.memory_space<hbm>>
      tpu.wait_indirect_dma semaphore(%arg9 : memref<!tpu.dma_semaphore, #tpu.memory_space<semaphore_mem>>) src(%dma_wait3A_51 : memref<10000x128xi32, #tpu.memory_space<hbm>>) dst(%arg7 : memref<200x128xi32, #tpu.memory_space<vmem>>)
      %mul3A_52 = arith.constant 200 : i32
      %mul3A_53 = arith.muli %add3A_22, %mul3A_52 : i32
      %add3A_54 = arith.addi %mul3A_2, %mul3A_53 : i32
      "tpu.region"() ({
        %run_scoped3A = tpu.sem_alloc : memref<!tpu.dma_semaphore, #tpu.memory_space<semaphore_mem>>
        %dma_start3A_55 = arith.constant 0 : i32
        %dma_start3A_56 = tpu.memref_slice %arg4[%add3A_54, %dma_start3A_55] : memref<160000x128xi32, #tpu.memory_space<hbm>> -> memref<200x128xi32, #tpu.memory_space<hbm>>
        %dma_start3A_57 = arith.constant 0 : i32
        %dma_start3A_58 = tpu.memref_slice %arg4[%add3A_54, %dma_start3A_57] : memref<160000x128xi32, #tpu.memory_space<hbm>> -> memref<200x128xi32, #tpu.memory_space<hbm>>
        tpu.enqueue_dma source(%arg7 : memref<200x128xi32, #tpu.memory_space<vmem>>) target(%dma_start3A_58 : memref<200x128xi32, #tpu.memory_space<hbm>>) target_semaphore(%run_scoped3A : memref<!tpu.dma_semaphore, #tpu.memory_space<semaphore_mem>>)
        %dma_wait3A_59 = arith.constant 0 : i32
        %dma_wait3A_60 = tpu.memref_slice %arg4[%add3A_54, %dma_wait3A_59] : memref<160000x128xi32, #tpu.memory_space<hbm>> -> memref<200x128xi32, #tpu.memory_space<hbm>>
        %dma_wait3A_61 = arith.constant 0 : i32
        %dma_wait3A_62 = tpu.memref_slice %arg4[%add3A_54, %dma_wait3A_61] : memref<160000x128xi32, #tpu.memory_space<hbm>> -> memref<200x128xi32, #tpu.memory_space<hbm>>
        tpu.wait_dma2 semaphore(%run_scoped3A : memref<!tpu.dma_semaphore, #tpu.memory_space<semaphore_mem>>) src(%arg7 : memref<200x128xi32, #tpu.memory_space<vmem>>) dst(%dma_wait3A_62 : memref<200x128xi32, #tpu.memory_space<hbm>>)
        tpu.yield
      }) : () -> ()
    }
    %scan3A_11 = arith.constant 12 : i32
    %dma_wait3A = arith.constant 4800 : i32
    %dma_wait3A_12 = tpu.memref_slice %arg5[%dma_wait3A] : memref<5000xi32, #tpu.memory_space<vmem>> -> memref<200xi32, #tpu.memory_space<vmem>>
    %dma_wait3A_13 = arith.constant 0 : i32
    %dma_wait3A_14 = arith.constant 0 : i32
    %dma_wait3A_15 = tpu.memref_slice %arg3[%dma_wait3A_13, %dma_wait3A_14] : memref<10000x128xi32, #tpu.memory_space<hbm>> -> memref<10000x128xi32, #tpu.memory_space<hbm>>
    tpu.wait_indirect_dma semaphore(%arg8 : memref<!tpu.dma_semaphore, #tpu.memory_space<semaphore_mem>>) src(%dma_wait3A_15 : memref<10000x128xi32, #tpu.memory_space<hbm>>) dst(%arg6 : memref<200x128xi32, #tpu.memory_space<vmem>>)
    %add3A_16 = arith.constant 4800 : i32
    %add3A_17 = arith.addi %mul3A_2, %add3A_16 : i32
    "tpu.region"() ({
      %run_scoped3A = tpu.sem_alloc : memref<!tpu.dma_semaphore, #tpu.memory_space<semaphore_mem>>
      %dma_start3A_18 = arith.constant 0 : i32
      %dma_start3A_19 = tpu.memref_slice %arg4[%add3A_17, %dma_start3A_18] : memref<160000x128xi32, #tpu.memory_space<hbm>> -> memref<200x128xi32, #tpu.memory_space<hbm>>
      %dma_start3A_20 = arith.constant 0 : i32
      %dma_start3A_21 = tpu.memref_slice %arg4[%add3A_17, %dma_start3A_20] : memref<160000x128xi32, #tpu.memory_space<hbm>> -> memref<200x128xi32, #tpu.memory_space<hbm>>
      tpu.enqueue_dma source(%arg6 : memref<200x128xi32, #tpu.memory_space<vmem>>) target(%dma_start3A_21 : memref<200x128xi32, #tpu.memory_space<hbm>>) target_semaphore(%run_scoped3A : memref<!tpu.dma_semaphore, #tpu.memory_space<semaphore_mem>>)
      %dma_wait3A_22 = arith.constant 0 : i32
      %dma_wait3A_23 = tpu.memref_slice %arg4[%add3A_17, %dma_wait3A_22] : memref<160000x128xi32, #tpu.memory_space<hbm>> -> memref<200x128xi32, #tpu.memory_space<hbm>>
      %dma_wait3A_24 = arith.constant 0 : i32
      %dma_wait3A_25 = tpu.memref_slice %arg4[%add3A_17, %dma_wait3A_24] : memref<160000x128xi32, #tpu.memory_space<hbm>> -> memref<200x128xi32, #tpu.memory_space<hbm>>
      tpu.wait_dma2 semaphore(%run_scoped3A : memref<!tpu.dma_semaphore, #tpu.memory_space<semaphore_mem>>) src(%arg6 : memref<200x128xi32, #tpu.memory_space<vmem>>) dst(%dma_wait3A_25 : memref<200x128xi32, #tpu.memory_space<hbm>>)
      tpu.yield
    }) : () -> ()
    return
  }
}

module attributes {stable_mosaic.version = 14 : i64} {
  func.func @_prep_body(%arg0: i32, %arg1: memref<2000x128xf32, #tpu.memory_space<vmem>>, %arg2: memref<128x512xf32, #tpu.memory_space<vmem>>, %arg3: memref<1x256xf32, #tpu.memory_space<vmem>>, %arg4: memref<2000x256xf32, #tpu.memory_space<vmem>>, %arg5: memref<2000x128xi32, #tpu.memory_space<vmem>>) attributes {dimension_semantics = [#tpu.dimension_semantics<arbitrary>], iteration_bounds = array<i64: 5>, scalar_prefetch = 0 : i64, scratch_operands = 0 : i64, tpu.core_type = #tpu.core_type<tc>, window_params = [{transform_indices = @transform_0, window_bounds = array<i64: 2000, 128>}, {pipeline_mode = #tpu.pipeline_mode<synchronous>, transform_indices = @transform_1, window_bounds = array<i64: 128, 512>}, {pipeline_mode = #tpu.pipeline_mode<synchronous>, transform_indices = @transform_2, window_bounds = array<i64: 1, 256>}, {transform_indices = @transform_3, window_bounds = array<i64: 2000, 256>}, {transform_indices = @transform_4, window_bounds = array<i64: 2000, 128>}]} {
    %get3A = arith.constant 0 : index
    %get3A_0 = arith.constant 0 : index
    %get3A_1 = vector.load %arg1[%get3A, %get3A_0] : memref<2000x128xf32, #tpu.memory_space<vmem>>, vector<2000x128xf32>
    %get3A_2 = arith.constant 0 : index
    %get3A_3 = arith.constant 0 : index
    %get3A_4 = vector.load %arg2[%get3A_2, %get3A_3] : memref<128x512xf32, #tpu.memory_space<vmem>>, vector<128x512xf32>
    %dot_general3A = arith.constant dense<0.000000e+00> : vector<2000x512xf32>
    %dot_general3A_5 = tpu.matmul %get3A_1, %get3A_4, %dot_general3A {dimension_numbers = #tpu.dot_dimension_numbers<[1], [0], [0], [1], [0, 0, 1, 1], [], []>, transpose_lhs_hint = false} : vector<2000x128xf32>, vector<128x512xf32>, vector<2000x512xf32> -> vector<2000x512xf32>
    %slice3A = vector.extract_strided_slice %dot_general3A_5 {offsets = [0, 0], sizes = [2000, 256], strides = [1, 1]} : vector<2000x512xf32> to vector<2000x256xf32>
    %get3A_6 = arith.constant 0 : index
    %get3A_7 = arith.constant 0 : index
    %get3A_8 = vector.load %arg3[%get3A_6, %get3A_7] : memref<1x256xf32, #tpu.memory_space<vmem>>, vector<1x256xf32>
    %add3A = vector.broadcast %get3A_8 : vector<1x256xf32> to vector<2000x256xf32>
    %add3A_9 = arith.addf %slice3A, %add3A : vector<2000x256xf32>
    %swap3A = arith.constant 0 : index
    %swap3A_10 = arith.constant 0 : index
    %swap3A_11 = vector.load %arg4[%swap3A, %swap3A_10] : memref<2000x256xf32, #tpu.memory_space<vmem>>, vector<2000x256xf32>
    tpu.vector_store %arg4[%swap3A, %swap3A_10], %add3A_9 {strides = array<i32>} : memref<2000x256xf32, #tpu.memory_space<vmem>>, vector<2000x256xf32>,
    %slice3A_12 = vector.extract_strided_slice %dot_general3A_5 {offsets = [0, 256], sizes = [2000, 256], strides = [1, 1]} : vector<2000x512xf32> to vector<2000x256xf32>
    %slice3A_13 = vector.extract_strided_slice %slice3A_12 {offsets = [0, 0], sizes = [2000, 128], strides = [1, 1]} : vector<2000x256xf32> to vector<2000x128xf32>
    %slice3A_14 = vector.extract_strided_slice %slice3A_12 {offsets = [0, 128], sizes = [2000, 128], strides = [1, 1]} : vector<2000x256xf32> to vector<2000x128xf32>
    %bitcast_convert_type3A = tpu.bitcast %slice3A_13 : vector<2000x128xf32> -> vector<2000x128xi32>
    %bitcast_convert_type3A_15 = tpu.bitcast %slice3A_14 : vector<2000x128xf32> -> vector<2000x128xi32>
    %add3A_16 = arith.constant 32768 : i32
    %add3A_17 = vector.broadcast %add3A_16 : i32 to vector<2000x128xi32>
    %add3A_18 = arith.addi %bitcast_convert_type3A, %add3A_17 : vector<2000x128xi32>
    %and3A = arith.constant -65536 : i32
    %and3A_19 = vector.broadcast %and3A : i32 to vector<2000x128xi32>
    %and3A_20 = arith.andi %add3A_18, %and3A_19 : vector<2000x128xi32>
    %add3A_21 = arith.constant 32768 : i32
    %add3A_22 = vector.broadcast %add3A_21 : i32 to vector<2000x128xi32>
    %add3A_23 = arith.addi %bitcast_convert_type3A_15, %add3A_22 : vector<2000x128xi32>
    %shift_right_logical3A = arith.constant 16 : i32
    %shift_right_logical3A_24 = vector.broadcast %shift_right_logical3A : i32 to vector<2000x128xi32>
    %shift_right_logical3A_25 = arith.shrui %add3A_23, %shift_right_logical3A_24 : vector<2000x128xi32>
    %or3A = arith.ori %and3A_20, %shift_right_logical3A_25 : vector<2000x128xi32>
    %swap3A_26 = arith.constant 0 : index
    %swap3A_27 = arith.constant 0 : index
    %swap3A_28 = vector.load %arg5[%swap3A_26, %swap3A_27] : memref<2000x128xi32, #tpu.memory_space<vmem>>, vector<2000x128xi32>
    tpu.vector_store %arg5[%swap3A_26, %swap3A_27], %or3A {strides = array<i32>} : memref<2000x128xi32, #tpu.memory_space<vmem>>, vector<2000x128xi32>,
    return
  }
  func.func @transform_0(%arg0: i32) -> (i32, i32) {
    %c0_i32 = arith.constant 0 : i32
    %c0_i32_0 = arith.constant 0 : i32
    return %arg0, %c0_i32 : i32, i32
  }
  func.func @transform_1(%arg0: i32) -> (i32, i32) {
    %c0_i32 = arith.constant 0 : i32
    %c0_i32_0 = arith.constant 0 : i32
    %c0_i32_1 = arith.constant 0 : i32
    return %c0_i32, %c0_i32_0 : i32, i32
  }
  func.func @transform_2(%arg0: i32) -> (i32, i32) {
    %c0_i32 = arith.constant 0 : i32
    %c0_i32_0 = arith.constant 0 : i32
    %c0_i32_1 = arith.constant 0 : i32
    return %c0_i32, %c0_i32_0 : i32, i32
  }
  func.func @transform_3(%arg0: i32) -> (i32, i32) {
    %c0_i32 = arith.constant 0 : i32
    %c0_i32_0 = arith.constant 0 : i32
    return %arg0, %c0_i32 : i32, i32
  }
  func.func @transform_4(%arg0: i32) -> (i32, i32) {
    %c0_i32 = arith.constant 0 : i32
    %c0_i32_0 = arith.constant 0 : i32
    return %arg0, %c0_i32 : i32, i32
  }
}

module attributes {stable_mosaic.version = 14 : i64} {
  func.func @body(%arg0: i32, %arg1: memref<32x200x128xi32, #tpu.memory_space<vmem>>, %arg2: memref<32x200x16xf32, #tpu.memory_space<vmem>>, %arg3: memref<200x256xf32, #tpu.memory_space<vmem>>, %arg4: memref<16x256xf32, #tpu.memory_space<vmem>>, %arg5: memref<2x128xf32, #tpu.memory_space<vmem>>, %arg6: memref<2x128xf32, #tpu.memory_space<vmem>>, %arg7: memref<2x128xf32, #tpu.memory_space<vmem>>, %arg8: memref<2x128xf32, #tpu.memory_space<vmem>>) attributes {dimension_semantics = [#tpu.dimension_semantics<arbitrary>], iteration_bounds = array<i64: 25>, scalar_prefetch = 0 : i64, scratch_operands = 2 : i64, tpu.core_type = #tpu.core_type<tc>, window_params = [{transform_indices = @transform_0, window_bounds = array<i64: 32, 200, 128>}, {transform_indices = @transform_1, window_bounds = array<i64: 32, 200, 16>}, {transform_indices = @transform_2, window_bounds = array<i64: 200, 256>}, {pipeline_mode = #tpu.pipeline_mode<synchronous>, transform_indices = @transform_3, window_bounds = array<i64: 16, 256>}, {pipeline_mode = #tpu.pipeline_mode<synchronous>, transform_indices = @transform_4, window_bounds = array<i64: 2, 128>}, {pipeline_mode = #tpu.pipeline_mode<synchronous>, transform_indices = @transform_5, window_bounds = array<i64: 2, 128>}]} {
    %get3A = arith.constant 0 : index
    %get3A_0 = arith.constant 0 : index
    %get3A_1 = arith.constant 0 : index
    %get3A_2 = vector.load %arg1[%get3A, %get3A_0, %get3A_1] : memref<32x200x128xi32, #tpu.memory_space<vmem>>, vector<32x200x128xi32>
    %and3A = arith.constant -65536 : i32
    %and3A_3 = vector.broadcast %and3A : i32 to vector<32x200x128xi32>
    %and3A_4 = arith.andi %get3A_2, %and3A_3 : vector<32x200x128xi32>
    %bitcast_convert_type3A = tpu.bitcast %and3A_4 : vector<32x200x128xi32> -> vector<32x200x128xf32>
    %shift_left3A = arith.constant 16 : i32
    %shift_left3A_5 = vector.broadcast %shift_left3A : i32 to vector<32x200x128xi32>
    %shift_left3A_6 = arith.shli %get3A_2, %shift_left3A_5 : vector<32x200x128xi32>
    %bitcast_convert_type3A_7 = tpu.bitcast %shift_left3A_6 : vector<32x200x128xi32> -> vector<32x200x128xf32>
    %get3A_8 = arith.constant 0 : index
    %get3A_9 = arith.constant 0 : index
    %get3A_10 = arith.constant 0 : index
    %get3A_11 = vector.load %arg2[%get3A_8, %get3A_9, %get3A_10] : memref<32x200x16xf32, #tpu.memory_space<vmem>>, vector<32x200x16xf32>
    %reshape3A = vector.shape_cast %get3A_11 : vector<32x200x16xf32> to vector<6400x16xf32>
    %get3A_12 = arith.constant 0 : index
    %get3A_13 = arith.constant 0 : index
    %get3A_14 = vector.load %arg4[%get3A_12, %get3A_13] : memref<16x256xf32, #tpu.memory_space<vmem>>, vector<16x256xf32>
    %dot_general3A = arith.constant dense<0.000000e+00> : vector<6400x256xf32>
    %dot_general3A_15 = tpu.matmul %reshape3A, %get3A_14, %dot_general3A {dimension_numbers = #tpu.dot_dimension_numbers<[1], [0], [0], [1], [0, 0, 1, 1], [], []>, transpose_lhs_hint = false} : vector<6400x16xf32>, vector<16x256xf32>, vector<6400x256xf32> -> vector<6400x256xf32>
    %get3A_16 = arith.constant 0 : index
    %get3A_17 = arith.constant 0 : index
    %get3A_18 = vector.load %arg3[%get3A_16, %get3A_17] : memref<200x256xf32, #tpu.memory_space<vmem>>, vector<200x256xf32>
    %slice3A = vector.extract_strided_slice %dot_general3A_15 {offsets = [0, 0], sizes = [6400, 128], strides = [1, 1]} : vector<6400x256xf32> to vector<6400x128xf32>
    %reshape3A_19 = vector.shape_cast %slice3A : vector<6400x128xf32> to vector<32x200x128xf32>
    %add3A = arith.addf %bitcast_convert_type3A, %reshape3A_19 : vector<32x200x128xf32>
    %slice3A_20 = vector.extract_strided_slice %get3A_18 {offsets = [0, 0], sizes = [200, 128], strides = [1, 1]} : vector<200x256xf32> to vector<200x128xf32>
    %broadcast_in_dim3A = vector.shape_cast %slice3A_20 : vector<200x128xf32> to vector<1x200x128xf32>
    %add3A_21 = vector.broadcast %broadcast_in_dim3A : vector<1x200x128xf32> to vector<32x200x128xf32>
    %add3A_22 = arith.addf %add3A, %add3A_21 : vector<32x200x128xf32>
    %reshape3A_23 = vector.shape_cast %add3A_22 : vector<32x200x128xf32> to vector<6400x128xf32>
    %slice3A_24 = vector.extract_strided_slice %dot_general3A_15 {offsets = [0, 128], sizes = [6400, 128], strides = [1, 1]} : vector<6400x256xf32> to vector<6400x128xf32>
    %reshape3A_25 = vector.shape_cast %slice3A_24 : vector<6400x128xf32> to vector<32x200x128xf32>
    %add3A_26 = arith.addf %bitcast_convert_type3A_7, %reshape3A_25 : vector<32x200x128xf32>
    %slice3A_27 = vector.extract_strided_slice %get3A_18 {offsets = [0, 128], sizes = [200, 128], strides = [1, 1]} : vector<200x256xf32> to vector<200x128xf32>
    %broadcast_in_dim3A_28 = vector.shape_cast %slice3A_27 : vector<200x128xf32> to vector<1x200x128xf32>
    %add3A_29 = vector.broadcast %broadcast_in_dim3A_28 : vector<1x200x128xf32> to vector<32x200x128xf32>
    %add3A_30 = arith.addf %add3A_26, %add3A_29 : vector<32x200x128xf32>
    %reshape3A_31 = vector.shape_cast %add3A_30 : vector<32x200x128xf32> to vector<6400x128xf32>
    %eq3A = arith.constant 0 : i32
    %eq3A_32 = arith.cmpi eq, %arg0, %eq3A : i32
    %convert_element_type3A = arith.extui %eq3A_32 : i1 to i32
    %cond3A = arith.constant 0 : i32
    %cond3A_33 = arith.cmpi ne, %convert_element_type3A, %cond3A : i32
    scf.if %cond3A_33 {
      %broadcast_in_dim3A_78 = arith.constant 0.000000e+00 : f32
      %broadcast_in_dim3A_79 = vector.broadcast %broadcast_in_dim3A_78 : f32 to vector<2x128xf32>
      %swap3A_80 = arith.constant 0 : index
      %swap3A_81 = arith.constant 0 : index
      %swap3A_82 = vector.load %arg7[%swap3A_80, %swap3A_81] : memref<2x128xf32, #tpu.memory_space<vmem>>, vector<2x128xf32>
      tpu.vector_store %arg7[%swap3A_80, %swap3A_81], %broadcast_in_dim3A_79 {strides = array<i32>} : memref<2x128xf32, #tpu.memory_space<vmem>>, vector<2x128xf32>,
      %broadcast_in_dim3A_83 = arith.constant 0.000000e+00 : f32
      %broadcast_in_dim3A_84 = vector.broadcast %broadcast_in_dim3A_83 : f32 to vector<2x128xf32>
      %swap3A_85 = arith.constant 0 : index
      %swap3A_86 = arith.constant 0 : index
      %swap3A_87 = vector.load %arg8[%swap3A_85, %swap3A_86] : memref<2x128xf32, #tpu.memory_space<vmem>>, vector<2x128xf32>
      tpu.vector_store %arg8[%swap3A_85, %swap3A_86], %broadcast_in_dim3A_84 {strides = array<i32>} : memref<2x128xf32, #tpu.memory_space<vmem>>, vector<2x128xf32>,
    } else {
    }
    %get3A_34 = arith.constant 0 : index
    %get3A_35 = arith.constant 0 : index
    %get3A_36 = vector.load %arg7[%get3A_34, %get3A_35] : memref<2x128xf32, #tpu.memory_space<vmem>>, vector<1x128xf32>
    %reduce_sum3A = arith.constant dense<0.000000e+00> : vector<128xf32>
    %reduce_sum3A_37 = vector.multi_reduction <add>, %reshape3A_23, %reduce_sum3A [0] : vector<6400x128xf32> to vector<128xf32>
    %broadcast_in_dim3A_38 = vector.shape_cast %reduce_sum3A_37 : vector<128xf32> to vector<1x128xf32>
    %add3A_39 = arith.addf %get3A_36, %broadcast_in_dim3A_38 : vector<1x128xf32>
    %swap3A = arith.constant 0 : index
    %swap3A_40 = arith.constant 0 : index
    %swap3A_41 = vector.load %arg7[%swap3A, %swap3A_40] : memref<2x128xf32, #tpu.memory_space<vmem>>, vector<1x128xf32>
    tpu.vector_store %arg7[%swap3A, %swap3A_40], %add3A_39 {strides = array<i32>} : memref<2x128xf32, #tpu.memory_space<vmem>>, vector<1x128xf32>,
    %get3A_42 = arith.constant 1 : index
    %get3A_43 = arith.constant 0 : index
    %get3A_44 = vector.load %arg7[%get3A_42, %get3A_43] : memref<2x128xf32, #tpu.memory_space<vmem>>, vector<1x128xf32>
    %reduce_sum3A_45 = arith.constant dense<0.000000e+00> : vector<128xf32>
    %reduce_sum3A_46 = vector.multi_reduction <add>, %reshape3A_31, %reduce_sum3A_45 [0] : vector<6400x128xf32> to vector<128xf32>
    %broadcast_in_dim3A_47 = vector.shape_cast %reduce_sum3A_46 : vector<128xf32> to vector<1x128xf32>
    %add3A_48 = arith.addf %get3A_44, %broadcast_in_dim3A_47 : vector<1x128xf32>
    %swap3A_49 = arith.constant 1 : index
    %swap3A_50 = arith.constant 0 : index
    %swap3A_51 = vector.load %arg7[%swap3A_49, %swap3A_50] : memref<2x128xf32, #tpu.memory_space<vmem>>, vector<1x128xf32>
    tpu.vector_store %arg7[%swap3A_49, %swap3A_50], %add3A_48 {strides = array<i32>} : memref<2x128xf32, #tpu.memory_space<vmem>>, vector<1x128xf32>,
    %get3A_52 = arith.constant 0 : index
    %get3A_53 = arith.constant 0 : index
    %get3A_54 = vector.load %arg8[%get3A_52, %get3A_53] : memref<2x128xf32, #tpu.memory_space<vmem>>, vector<1x128xf32>
    %mul3A = arith.mulf %reshape3A_23, %reshape3A_23 : vector<6400x128xf32>
    %reduce_sum3A_55 = arith.constant dense<0.000000e+00> : vector<128xf32>
    %reduce_sum3A_56 = vector.multi_reduction <add>, %mul3A, %reduce_sum3A_55 [0] : vector<6400x128xf32> to vector<128xf32>
    %broadcast_in_dim3A_57 = vector.shape_cast %reduce_sum3A_56 : vector<128xf32> to vector<1x128xf32>
    %add3A_58 = arith.addf %get3A_54, %broadcast_in_dim3A_57 : vector<1x128xf32>
    %swap3A_59 = arith.constant 0 : index
    %swap3A_60 = arith.constant 0 : index
    %swap3A_61 = vector.load %arg8[%swap3A_59, %swap3A_60] : memref<2x128xf32, #tpu.memory_space<vmem>>, vector<1x128xf32>
    tpu.vector_store %arg8[%swap3A_59, %swap3A_60], %add3A_58 {strides = array<i32>} : memref<2x128xf32, #tpu.memory_space<vmem>>, vector<1x128xf32>,
    %get3A_62 = arith.constant 1 : index
    %get3A_63 = arith.constant 0 : index
    %get3A_64 = vector.load %arg8[%get3A_62, %get3A_63] : memref<2x128xf32, #tpu.memory_space<vmem>>, vector<1x128xf32>
    %mul3A_65 = arith.mulf %reshape3A_31, %reshape3A_31 : vector<6400x128xf32>
    %reduce_sum3A_66 = arith.constant dense<0.000000e+00> : vector<128xf32>
    %reduce_sum3A_67 = vector.multi_reduction <add>, %mul3A_65, %reduce_sum3A_66 [0] : vector<6400x128xf32> to vector<128xf32>
    %broadcast_in_dim3A_68 = vector.shape_cast %reduce_sum3A_67 : vector<128xf32> to vector<1x128xf32>
    %add3A_69 = arith.addf %get3A_64, %broadcast_in_dim3A_68 : vector<1x128xf32>
    %swap3A_70 = arith.constant 1 : index
    %swap3A_71 = arith.constant 0 : index
    %swap3A_72 = vector.load %arg8[%swap3A_70, %swap3A_71] : memref<2x128xf32, #tpu.memory_space<vmem>>, vector<1x128xf32>
    tpu.vector_store %arg8[%swap3A_70, %swap3A_71], %add3A_69 {strides = array<i32>} : memref<2x128xf32, #tpu.memory_space<vmem>>, vector<1x128xf32>,
    %eq3A_73 = arith.constant 24 : i32
    %eq3A_74 = arith.cmpi eq, %arg0, %eq3A_73 : i32
    %convert_element_type3A_75 = arith.extui %eq3A_74 : i1 to i32
    %cond3A_76 = arith.constant 0 : i32
    %cond3A_77 = arith.cmpi ne, %convert_element_type3A_75, %cond3A_76 : i32
    scf.if %cond3A_77 {
      %get3A_78 = arith.constant 0 : index
      %get3A_79 = arith.constant 0 : index
      %get3A_80 = vector.load %arg7[%get3A_78, %get3A_79] : memref<2x128xf32, #tpu.memory_space<vmem>>, vector<2x128xf32>
      %swap3A_81 = arith.constant 0 : index
      %swap3A_82 = arith.constant 0 : index
      %swap3A_83 = vector.load %arg5[%swap3A_81, %swap3A_82] : memref<2x128xf32, #tpu.memory_space<vmem>>, vector<2x128xf32>
      tpu.vector_store %arg5[%swap3A_81, %swap3A_82], %get3A_80 {strides = array<i32>} : memref<2x128xf32, #tpu.memory_space<vmem>>, vector<2x128xf32>,
      %get3A_84 = arith.constant 0 : index
      %get3A_85 = arith.constant 0 : index
      %get3A_86 = vector.load %arg8[%get3A_84, %get3A_85] : memref<2x128xf32, #tpu.memory_space<vmem>>, vector<2x128xf32>
      %swap3A_87 = arith.constant 0 : index
      %swap3A_88 = arith.constant 0 : index
      %swap3A_89 = vector.load %arg6[%swap3A_87, %swap3A_88] : memref<2x128xf32, #tpu.memory_space<vmem>>, vector<2x128xf32>
      tpu.vector_store %arg6[%swap3A_87, %swap3A_88], %get3A_86 {strides = array<i32>} : memref<2x128xf32, #tpu.memory_space<vmem>>, vector<2x128xf32>,
    } else {
    }
    return
  }
  func.func @transform_0(%arg0: i32) -> (i32, i32, i32) {
    %c0_i32 = arith.constant 0 : i32
    %c0_i32_0 = arith.constant 0 : i32
    %c0_i32_1 = arith.constant 0 : i32
    return %c0_i32, %arg0, %c0_i32_0 : i32, i32, i32
  }
  func.func @transform_1(%arg0: i32) -> (i32, i32, i32) {
    %add3A = arith.constant 25 : i32
    %add3A_0 = arith.addi %arg0, %add3A : i32
    %c0_i32 = arith.constant 0 : i32
    %c0_i32_1 = arith.constant 0 : i32
    %c0_i32_2 = arith.constant 0 : i32
    return %c0_i32, %add3A_0, %c0_i32_1 : i32, i32, i32
  }
  func.func @transform_2(%arg0: i32) -> (i32, i32) {
    %add3A = arith.constant 25 : i32
    %add3A_0 = arith.addi %arg0, %add3A : i32
    %c0_i32 = arith.constant 0 : i32
    %c0_i32_1 = arith.constant 0 : i32
    return %add3A_0, %c0_i32 : i32, i32
  }
  func.func @transform_3(%arg0: i32) -> (i32, i32) {
    %c0_i32 = arith.constant 0 : i32
    %c0_i32_0 = arith.constant 0 : i32
    %c0_i32_1 = arith.constant 0 : i32
    return %c0_i32, %c0_i32_0 : i32, i32
  }
  func.func @transform_4(%arg0: i32) -> (i32, i32) {
    %c0_i32 = arith.constant 0 : i32
    %c0_i32_0 = arith.constant 0 : i32
    %c0_i32_1 = arith.constant 0 : i32
    return %c0_i32, %c0_i32_0 : i32, i32
  }
  func.func @transform_5(%arg0: i32) -> (i32, i32) {
    %c0_i32 = arith.constant 0 : i32
    %c0_i32_0 = arith.constant 0 : i32
    %c0_i32_1 = arith.constant 0 : i32
    return %c0_i32, %c0_i32_0 : i32, i32
  }
}

module attributes {stable_mosaic.version = 14 : i64} {
  func.func @body(%arg0: i32, %arg1: memref<32x200x128xi32, #tpu.memory_space<vmem>>, %arg2: memref<32x200x16xf32, #tpu.memory_space<vmem>>, %arg3: memref<200x256xf32, #tpu.memory_space<vmem>>, %arg4: memref<16x256xf32, #tpu.memory_space<vmem>>, %arg5: memref<2x128xf32, #tpu.memory_space<vmem>>, %arg6: memref<2x128xf32, #tpu.memory_space<vmem>>, %arg7: memref<2x128xf32, #tpu.memory_space<vmem>>, %arg8: memref<2x128xf32, #tpu.memory_space<vmem>>) attributes {dimension_semantics = [#tpu.dimension_semantics<arbitrary>], iteration_bounds = array<i64: 25>, scalar_prefetch = 0 : i64, scratch_operands = 2 : i64, tpu.core_type = #tpu.core_type<tc>, window_params = [{transform_indices = @transform_0, window_bounds = array<i64: 32, 200, 128>}, {transform_indices = @transform_1, window_bounds = array<i64: 32, 200, 16>}, {transform_indices = @transform_2, window_bounds = array<i64: 200, 256>}, {pipeline_mode = #tpu.pipeline_mode<synchronous>, transform_indices = @transform_3, window_bounds = array<i64: 16, 256>}, {pipeline_mode = #tpu.pipeline_mode<synchronous>, transform_indices = @transform_4, window_bounds = array<i64: 2, 128>}, {pipeline_mode = #tpu.pipeline_mode<synchronous>, transform_indices = @transform_5, window_bounds = array<i64: 2, 128>}]} {
    %get3A = arith.constant 0 : index
    %get3A_0 = arith.constant 0 : index
    %get3A_1 = arith.constant 0 : index
    %get3A_2 = vector.load %arg1[%get3A, %get3A_0, %get3A_1] : memref<32x200x128xi32, #tpu.memory_space<vmem>>, vector<32x200x128xi32>
    %and3A = arith.constant -65536 : i32
    %and3A_3 = vector.broadcast %and3A : i32 to vector<32x200x128xi32>
    %and3A_4 = arith.andi %get3A_2, %and3A_3 : vector<32x200x128xi32>
    %bitcast_convert_type3A = tpu.bitcast %and3A_4 : vector<32x200x128xi32> -> vector<32x200x128xf32>
    %shift_left3A = arith.constant 16 : i32
    %shift_left3A_5 = vector.broadcast %shift_left3A : i32 to vector<32x200x128xi32>
    %shift_left3A_6 = arith.shli %get3A_2, %shift_left3A_5 : vector<32x200x128xi32>
    %bitcast_convert_type3A_7 = tpu.bitcast %shift_left3A_6 : vector<32x200x128xi32> -> vector<32x200x128xf32>
    %get3A_8 = arith.constant 0 : index
    %get3A_9 = arith.constant 0 : index
    %get3A_10 = arith.constant 0 : index
    %get3A_11 = vector.load %arg2[%get3A_8, %get3A_9, %get3A_10] : memref<32x200x16xf32, #tpu.memory_space<vmem>>, vector<32x200x16xf32>
    %reshape3A = vector.shape_cast %get3A_11 : vector<32x200x16xf32> to vector<6400x16xf32>
    %get3A_12 = arith.constant 0 : index
    %get3A_13 = arith.constant 0 : index
    %get3A_14 = vector.load %arg4[%get3A_12, %get3A_13] : memref<16x256xf32, #tpu.memory_space<vmem>>, vector<16x256xf32>
    %dot_general3A = arith.constant dense<0.000000e+00> : vector<6400x256xf32>
    %dot_general3A_15 = tpu.matmul %reshape3A, %get3A_14, %dot_general3A {dimension_numbers = #tpu.dot_dimension_numbers<[1], [0], [0], [1], [0, 0, 1, 1], [], []>, transpose_lhs_hint = false} : vector<6400x16xf32>, vector<16x256xf32>, vector<6400x256xf32> -> vector<6400x256xf32>
    %get3A_16 = arith.constant 0 : index
    %get3A_17 = arith.constant 0 : index
    %get3A_18 = vector.load %arg3[%get3A_16, %get3A_17] : memref<200x256xf32, #tpu.memory_space<vmem>>, vector<200x256xf32>
    %slice3A = vector.extract_strided_slice %dot_general3A_15 {offsets = [0, 0], sizes = [6400, 128], strides = [1, 1]} : vector<6400x256xf32> to vector<6400x128xf32>
    %reshape3A_19 = vector.shape_cast %slice3A : vector<6400x128xf32> to vector<32x200x128xf32>
    %add3A = arith.addf %bitcast_convert_type3A, %reshape3A_19 : vector<32x200x128xf32>
    %slice3A_20 = vector.extract_strided_slice %get3A_18 {offsets = [0, 0], sizes = [200, 128], strides = [1, 1]} : vector<200x256xf32> to vector<200x128xf32>
    %broadcast_in_dim3A = vector.shape_cast %slice3A_20 : vector<200x128xf32> to vector<1x200x128xf32>
    %add3A_21 = vector.broadcast %broadcast_in_dim3A : vector<1x200x128xf32> to vector<32x200x128xf32>
    %add3A_22 = arith.addf %add3A, %add3A_21 : vector<32x200x128xf32>
    %reshape3A_23 = vector.shape_cast %add3A_22 : vector<32x200x128xf32> to vector<6400x128xf32>
    %slice3A_24 = vector.extract_strided_slice %dot_general3A_15 {offsets = [0, 128], sizes = [6400, 128], strides = [1, 1]} : vector<6400x256xf32> to vector<6400x128xf32>
    %reshape3A_25 = vector.shape_cast %slice3A_24 : vector<6400x128xf32> to vector<32x200x128xf32>
    %add3A_26 = arith.addf %bitcast_convert_type3A_7, %reshape3A_25 : vector<32x200x128xf32>
    %slice3A_27 = vector.extract_strided_slice %get3A_18 {offsets = [0, 128], sizes = [200, 128], strides = [1, 1]} : vector<200x256xf32> to vector<200x128xf32>
    %broadcast_in_dim3A_28 = vector.shape_cast %slice3A_27 : vector<200x128xf32> to vector<1x200x128xf32>
    %add3A_29 = vector.broadcast %broadcast_in_dim3A_28 : vector<1x200x128xf32> to vector<32x200x128xf32>
    %add3A_30 = arith.addf %add3A_26, %add3A_29 : vector<32x200x128xf32>
    %reshape3A_31 = vector.shape_cast %add3A_30 : vector<32x200x128xf32> to vector<6400x128xf32>
    %eq3A = arith.constant 0 : i32
    %eq3A_32 = arith.cmpi eq, %arg0, %eq3A : i32
    %convert_element_type3A = arith.extui %eq3A_32 : i1 to i32
    %cond3A = arith.constant 0 : i32
    %cond3A_33 = arith.cmpi ne, %convert_element_type3A, %cond3A : i32
    scf.if %cond3A_33 {
      %broadcast_in_dim3A_78 = arith.constant 0.000000e+00 : f32
      %broadcast_in_dim3A_79 = vector.broadcast %broadcast_in_dim3A_78 : f32 to vector<2x128xf32>
      %swap3A_80 = arith.constant 0 : index
      %swap3A_81 = arith.constant 0 : index
      %swap3A_82 = vector.load %arg7[%swap3A_80, %swap3A_81] : memref<2x128xf32, #tpu.memory_space<vmem>>, vector<2x128xf32>
      tpu.vector_store %arg7[%swap3A_80, %swap3A_81], %broadcast_in_dim3A_79 {strides = array<i32>} : memref<2x128xf32, #tpu.memory_space<vmem>>, vector<2x128xf32>,
      %broadcast_in_dim3A_83 = arith.constant 0.000000e+00 : f32
      %broadcast_in_dim3A_84 = vector.broadcast %broadcast_in_dim3A_83 : f32 to vector<2x128xf32>
      %swap3A_85 = arith.constant 0 : index
      %swap3A_86 = arith.constant 0 : index
      %swap3A_87 = vector.load %arg8[%swap3A_85, %swap3A_86] : memref<2x128xf32, #tpu.memory_space<vmem>>, vector<2x128xf32>
      tpu.vector_store %arg8[%swap3A_85, %swap3A_86], %broadcast_in_dim3A_84 {strides = array<i32>} : memref<2x128xf32, #tpu.memory_space<vmem>>, vector<2x128xf32>,
    } else {
    }
    %get3A_34 = arith.constant 0 : index
    %get3A_35 = arith.constant 0 : index
    %get3A_36 = vector.load %arg7[%get3A_34, %get3A_35] : memref<2x128xf32, #tpu.memory_space<vmem>>, vector<1x128xf32>
    %reduce_sum3A = arith.constant dense<0.000000e+00> : vector<128xf32>
    %reduce_sum3A_37 = vector.multi_reduction <add>, %reshape3A_23, %reduce_sum3A [0] : vector<6400x128xf32> to vector<128xf32>
    %broadcast_in_dim3A_38 = vector.shape_cast %reduce_sum3A_37 : vector<128xf32> to vector<1x128xf32>
    %add3A_39 = arith.addf %get3A_36, %broadcast_in_dim3A_38 : vector<1x128xf32>
    %swap3A = arith.constant 0 : index
    %swap3A_40 = arith.constant 0 : index
    %swap3A_41 = vector.load %arg7[%swap3A, %swap3A_40] : memref<2x128xf32, #tpu.memory_space<vmem>>, vector<1x128xf32>
    tpu.vector_store %arg7[%swap3A, %swap3A_40], %add3A_39 {strides = array<i32>} : memref<2x128xf32, #tpu.memory_space<vmem>>, vector<1x128xf32>,
    %get3A_42 = arith.constant 1 : index
    %get3A_43 = arith.constant 0 : index
    %get3A_44 = vector.load %arg7[%get3A_42, %get3A_43] : memref<2x128xf32, #tpu.memory_space<vmem>>, vector<1x128xf32>
    %reduce_sum3A_45 = arith.constant dense<0.000000e+00> : vector<128xf32>
    %reduce_sum3A_46 = vector.multi_reduction <add>, %reshape3A_31, %reduce_sum3A_45 [0] : vector<6400x128xf32> to vector<128xf32>
    %broadcast_in_dim3A_47 = vector.shape_cast %reduce_sum3A_46 : vector<128xf32> to vector<1x128xf32>
    %add3A_48 = arith.addf %get3A_44, %broadcast_in_dim3A_47 : vector<1x128xf32>
    %swap3A_49 = arith.constant 1 : index
    %swap3A_50 = arith.constant 0 : index
    %swap3A_51 = vector.load %arg7[%swap3A_49, %swap3A_50] : memref<2x128xf32, #tpu.memory_space<vmem>>, vector<1x128xf32>
    tpu.vector_store %arg7[%swap3A_49, %swap3A_50], %add3A_48 {strides = array<i32>} : memref<2x128xf32, #tpu.memory_space<vmem>>, vector<1x128xf32>,
    %get3A_52 = arith.constant 0 : index
    %get3A_53 = arith.constant 0 : index
    %get3A_54 = vector.load %arg8[%get3A_52, %get3A_53] : memref<2x128xf32, #tpu.memory_space<vmem>>, vector<1x128xf32>
    %mul3A = arith.mulf %reshape3A_23, %reshape3A_23 : vector<6400x128xf32>
    %reduce_sum3A_55 = arith.constant dense<0.000000e+00> : vector<128xf32>
    %reduce_sum3A_56 = vector.multi_reduction <add>, %mul3A, %reduce_sum3A_55 [0] : vector<6400x128xf32> to vector<128xf32>
    %broadcast_in_dim3A_57 = vector.shape_cast %reduce_sum3A_56 : vector<128xf32> to vector<1x128xf32>
    %add3A_58 = arith.addf %get3A_54, %broadcast_in_dim3A_57 : vector<1x128xf32>
    %swap3A_59 = arith.constant 0 : index
    %swap3A_60 = arith.constant 0 : index
    %swap3A_61 = vector.load %arg8[%swap3A_59, %swap3A_60] : memref<2x128xf32, #tpu.memory_space<vmem>>, vector<1x128xf32>
    tpu.vector_store %arg8[%swap3A_59, %swap3A_60], %add3A_58 {strides = array<i32>} : memref<2x128xf32, #tpu.memory_space<vmem>>, vector<1x128xf32>,
    %get3A_62 = arith.constant 1 : index
    %get3A_63 = arith.constant 0 : index
    %get3A_64 = vector.load %arg8[%get3A_62, %get3A_63] : memref<2x128xf32, #tpu.memory_space<vmem>>, vector<1x128xf32>
    %mul3A_65 = arith.mulf %reshape3A_31, %reshape3A_31 : vector<6400x128xf32>
    %reduce_sum3A_66 = arith.constant dense<0.000000e+00> : vector<128xf32>
    %reduce_sum3A_67 = vector.multi_reduction <add>, %mul3A_65, %reduce_sum3A_66 [0] : vector<6400x128xf32> to vector<128xf32>
    %broadcast_in_dim3A_68 = vector.shape_cast %reduce_sum3A_67 : vector<128xf32> to vector<1x128xf32>
    %add3A_69 = arith.addf %get3A_64, %broadcast_in_dim3A_68 : vector<1x128xf32>
    %swap3A_70 = arith.constant 1 : index
    %swap3A_71 = arith.constant 0 : index
    %swap3A_72 = vector.load %arg8[%swap3A_70, %swap3A_71] : memref<2x128xf32, #tpu.memory_space<vmem>>, vector<1x128xf32>
    tpu.vector_store %arg8[%swap3A_70, %swap3A_71], %add3A_69 {strides = array<i32>} : memref<2x128xf32, #tpu.memory_space<vmem>>, vector<1x128xf32>,
    %eq3A_73 = arith.constant 24 : i32
    %eq3A_74 = arith.cmpi eq, %arg0, %eq3A_73 : i32
    %convert_element_type3A_75 = arith.extui %eq3A_74 : i1 to i32
    %cond3A_76 = arith.constant 0 : i32
    %cond3A_77 = arith.cmpi ne, %convert_element_type3A_75, %cond3A_76 : i32
    scf.if %cond3A_77 {
      %get3A_78 = arith.constant 0 : index
      %get3A_79 = arith.constant 0 : index
      %get3A_80 = vector.load %arg7[%get3A_78, %get3A_79] : memref<2x128xf32, #tpu.memory_space<vmem>>, vector<2x128xf32>
      %swap3A_81 = arith.constant 0 : index
      %swap3A_82 = arith.constant 0 : index
      %swap3A_83 = vector.load %arg5[%swap3A_81, %swap3A_82] : memref<2x128xf32, #tpu.memory_space<vmem>>, vector<2x128xf32>
      tpu.vector_store %arg5[%swap3A_81, %swap3A_82], %get3A_80 {strides = array<i32>} : memref<2x128xf32, #tpu.memory_space<vmem>>, vector<2x128xf32>,
      %get3A_84 = arith.constant 0 : index
      %get3A_85 = arith.constant 0 : index
      %get3A_86 = vector.load %arg8[%get3A_84, %get3A_85] : memref<2x128xf32, #tpu.memory_space<vmem>>, vector<2x128xf32>
      %swap3A_87 = arith.constant 0 : index
      %swap3A_88 = arith.constant 0 : index
      %swap3A_89 = vector.load %arg6[%swap3A_87, %swap3A_88] : memref<2x128xf32, #tpu.memory_space<vmem>>, vector<2x128xf32>
      tpu.vector_store %arg6[%swap3A_87, %swap3A_88], %get3A_86 {strides = array<i32>} : memref<2x128xf32, #tpu.memory_space<vmem>>, vector<2x128xf32>,
    } else {
    }
    return
  }
  func.func @transform_0(%arg0: i32) -> (i32, i32, i32) {
    %c0_i32 = arith.constant 0 : i32
    %c0_i32_0 = arith.constant 0 : i32
    %c0_i32_1 = arith.constant 0 : i32
    return %c0_i32, %arg0, %c0_i32_0 : i32, i32, i32
  }
  func.func @transform_1(%arg0: i32) -> (i32, i32, i32) {
    %add3A = arith.constant 0 : i32
    %add3A_0 = arith.addi %arg0, %add3A : i32
    %c0_i32 = arith.constant 0 : i32
    %c0_i32_1 = arith.constant 0 : i32
    %c0_i32_2 = arith.constant 0 : i32
    return %c0_i32, %add3A_0, %c0_i32_1 : i32, i32, i32
  }
  func.func @transform_2(%arg0: i32) -> (i32, i32) {
    %add3A = arith.constant 0 : i32
    %add3A_0 = arith.addi %arg0, %add3A : i32
    %c0_i32 = arith.constant 0 : i32
    %c0_i32_1 = arith.constant 0 : i32
    return %add3A_0, %c0_i32 : i32, i32
  }
  func.func @transform_3(%arg0: i32) -> (i32, i32) {
    %c0_i32 = arith.constant 0 : i32
    %c0_i32_0 = arith.constant 0 : i32
    %c0_i32_1 = arith.constant 0 : i32
    return %c0_i32, %c0_i32_0 : i32, i32
  }
  func.func @transform_4(%arg0: i32) -> (i32, i32) {
    %c0_i32 = arith.constant 0 : i32
    %c0_i32_0 = arith.constant 0 : i32
    %c0_i32_1 = arith.constant 0 : i32
    return %c0_i32, %c0_i32_0 : i32, i32
  }
  func.func @transform_5(%arg0: i32) -> (i32, i32) {
    %c0_i32 = arith.constant 0 : i32
    %c0_i32_0 = arith.constant 0 : i32
    %c0_i32_1 = arith.constant 0 : i32
    return %c0_i32, %c0_i32_0 : i32, i32
  }
}

module attributes {stable_mosaic.version = 14 : i64} {
  func.func @body(%arg0: i32, %arg1: memref<32x200x128xi32, #tpu.memory_space<vmem>>, %arg2: memref<32x200x16xf32, #tpu.memory_space<vmem>>, %arg3: memref<200x256xf32, #tpu.memory_space<vmem>>, %arg4: memref<16x256xf32, #tpu.memory_space<vmem>>, %arg5: memref<2x128xf32, #tpu.memory_space<vmem>>, %arg6: memref<2x128xf32, #tpu.memory_space<vmem>>, %arg7: memref<2x128xf32, #tpu.memory_space<vmem>>, %arg8: memref<2x128xf32, #tpu.memory_space<vmem>>, %arg9: memref<200x128xf32, #tpu.memory_space<vmem>>, %arg10: memref<1x128xf32, #tpu.memory_space<vmem>>, %arg11: memref<1x128xf32, #tpu.memory_space<vmem>>, %arg12: memref<1x128xf32, #tpu.memory_space<vmem>>, %arg13: memref<1x128xf32, #tpu.memory_space<vmem>>) attributes {dimension_semantics = [#tpu.dimension_semantics<arbitrary>], iteration_bounds = array<i64: 25>, scalar_prefetch = 0 : i64, scratch_operands = 2 : i64, tpu.core_type = #tpu.core_type<tc>, window_params = [{transform_indices = @transform_0, window_bounds = array<i64: 32, 200, 128>}, {transform_indices = @transform_1, window_bounds = array<i64: 32, 200, 16>}, {transform_indices = @transform_2, window_bounds = array<i64: 200, 256>}, {pipeline_mode = #tpu.pipeline_mode<synchronous>, transform_indices = @transform_3, window_bounds = array<i64: 16, 256>}, {pipeline_mode = #tpu.pipeline_mode<synchronous>, transform_indices = @transform_4, window_bounds = array<i64: 2, 128>}, {pipeline_mode = #tpu.pipeline_mode<synchronous>, transform_indices = @transform_5, window_bounds = array<i64: 2, 128>}, {pipeline_mode = #tpu.pipeline_mode<synchronous>, transform_indices = @transform_6, window_bounds = array<i64: 2, 128>}, {pipeline_mode = #tpu.pipeline_mode<synchronous>, transform_indices = @transform_7, window_bounds = array<i64: 2, 128>}, {transform_indices = @transform_8, window_bounds = array<i64: 200, 128>}, {pipeline_mode = #tpu.pipeline_mode<synchronous>, transform_indices = @transform_9, window_bounds = array<i64: 1, 128>}, {pipeline_mode = #tpu.pipeline_mode<synchronous>, transform_indices = @transform_10, window_bounds = array<i64: 1, 128>}]} {
    %get3A = arith.constant 0 : index
    %get3A_0 = arith.constant 0 : index
    %get3A_1 = vector.load %arg5[%get3A, %get3A_0] : memref<2x128xf32, #tpu.memory_space<vmem>>, vector<2x128xf32>
    %mul3A = arith.constant 3.125000e-06 : f32
    %mul3A_2 = vector.broadcast %mul3A : f32 to vector<2x128xf32>
    %mul3A_3 = arith.mulf %get3A_1, %mul3A_2 : vector<2x128xf32>
    %get3A_4 = arith.constant 0 : index
    %get3A_5 = arith.constant 0 : index
    %get3A_6 = vector.load %arg6[%get3A_4, %get3A_5] : memref<2x128xf32, #tpu.memory_space<vmem>>, vector<2x128xf32>
    %mul3A_7 = arith.constant 3.125000e-06 : f32
    %mul3A_8 = vector.broadcast %mul3A_7 : f32 to vector<2x128xf32>
    %mul3A_9 = arith.mulf %get3A_6, %mul3A_8 : vector<2x128xf32>
    %mul3A_10 = arith.mulf %mul3A_3, %mul3A_3 : vector<2x128xf32>
    %sub3A = arith.subf %mul3A_9, %mul3A_10 : vector<2x128xf32>
    %get3A_11 = arith.constant 0 : index
    %get3A_12 = arith.constant 0 : index
    %get3A_13 = vector.load %arg7[%get3A_11, %get3A_12] : memref<2x128xf32, #tpu.memory_space<vmem>>, vector<2x128xf32>
    %add3A = arith.constant 9.99999974E-6 : f32
    %add3A_14 = vector.broadcast %add3A : f32 to vector<2x128xf32>
    %add3A_15 = arith.addf %sub3A, %add3A_14 : vector<2x128xf32>
    %rsqrt3A = math.rsqrt %add3A_15 : vector<2x128xf32>
    %mul3A_16 = arith.mulf %get3A_13, %rsqrt3A : vector<2x128xf32>
    %get3A_17 = arith.constant 0 : index
    %get3A_18 = arith.constant 0 : index
    %get3A_19 = vector.load %arg8[%get3A_17, %get3A_18] : memref<2x128xf32, #tpu.memory_space<vmem>>, vector<2x128xf32>
    %mul3A_20 = arith.mulf %mul3A_3, %mul3A_16 : vector<2x128xf32>
    %sub3A_21 = arith.subf %get3A_19, %mul3A_20 : vector<2x128xf32>
    %slice3A = vector.extract_strided_slice %mul3A_16 {offsets = [0, 0], sizes = [1, 128], strides = [1, 1]} : vector<2x128xf32> to vector<1x128xf32>
    %mul3A_22 = arith.constant -1.44269502 : f32
    %mul3A_23 = vector.broadcast %mul3A_22 : f32 to vector<1x128xf32>
    %mul3A_24 = arith.mulf %slice3A, %mul3A_23 : vector<1x128xf32>
    %slice3A_25 = vector.extract_strided_slice %mul3A_16 {offsets = [1, 0], sizes = [1, 128], strides = [1, 1]} : vector<2x128xf32> to vector<1x128xf32>
    %mul3A_26 = arith.constant 1.44269502 : f32
    %mul3A_27 = vector.broadcast %mul3A_26 : f32 to vector<1x128xf32>
    %mul3A_28 = arith.mulf %slice3A_25, %mul3A_27 : vector<1x128xf32>
    %concatenate3A = tpu.concatenate %mul3A_24, %mul3A_28 in 1 : vector<1x128xf32>, vector<1x128xf32> -> vector<1x256xf32>
    %slice3A_29 = vector.extract_strided_slice %sub3A_21 {offsets = [0, 0], sizes = [1, 128], strides = [1, 1]} : vector<2x128xf32> to vector<1x128xf32>
    %mul3A_30 = arith.constant -1.44269502 : f32
    %mul3A_31 = vector.broadcast %mul3A_30 : f32 to vector<1x128xf32>
    %mul3A_32 = arith.mulf %slice3A_29, %mul3A_31 : vector<1x128xf32>
    %slice3A_33 = vector.extract_strided_slice %sub3A_21 {offsets = [1, 0], sizes = [1, 128], strides = [1, 1]} : vector<2x128xf32> to vector<1x128xf32>
    %mul3A_34 = arith.constant 1.44269502 : f32
    %mul3A_35 = vector.broadcast %mul3A_34 : f32 to vector<1x128xf32>
    %mul3A_36 = arith.mulf %slice3A_33, %mul3A_35 : vector<1x128xf32>
    %concatenate3A_37 = tpu.concatenate %mul3A_32, %mul3A_36 in 1 : vector<1x128xf32>, vector<1x128xf32> -> vector<1x256xf32>
    %get3A_38 = arith.constant 0 : index
    %get3A_39 = arith.constant 0 : index
    %get3A_40 = vector.load %arg4[%get3A_38, %get3A_39] : memref<16x256xf32, #tpu.memory_space<vmem>>, vector<16x256xf32>
    %mul3A_41 = vector.broadcast %concatenate3A : vector<1x256xf32> to vector<16x256xf32>
    %mul3A_42 = arith.mulf %get3A_40, %mul3A_41 : vector<16x256xf32>
    %get3A_43 = arith.constant 0 : index
    %get3A_44 = arith.constant 0 : index
    %get3A_45 = vector.load %arg3[%get3A_43, %get3A_44] : memref<200x256xf32, #tpu.memory_space<vmem>>, vector<200x256xf32>
    %mul3A_46 = vector.broadcast %concatenate3A : vector<1x256xf32> to vector<200x256xf32>
    %mul3A_47 = arith.mulf %get3A_45, %mul3A_46 : vector<200x256xf32>
    %add3A_48 = vector.broadcast %concatenate3A_37 : vector<1x256xf32> to vector<200x256xf32>
    %add3A_49 = arith.addf %mul3A_47, %add3A_48 : vector<200x256xf32>
    %get3A_50 = arith.constant 0 : index
    %get3A_51 = arith.constant 0 : index
    %get3A_52 = arith.constant 0 : index
    %get3A_53 = vector.load %arg1[%get3A_50, %get3A_51, %get3A_52] : memref<32x200x128xi32, #tpu.memory_space<vmem>>, vector<32x200x128xi32>
    %and3A = arith.constant -65536 : i32
    %and3A_54 = vector.broadcast %and3A : i32 to vector<32x200x128xi32>
    %and3A_55 = arith.andi %get3A_53, %and3A_54 : vector<32x200x128xi32>
    %bitcast_convert_type3A = tpu.bitcast %and3A_55 : vector<32x200x128xi32> -> vector<32x200x128xf32>
    %shift_left3A = arith.constant 16 : i32
    %shift_left3A_56 = vector.broadcast %shift_left3A : i32 to vector<32x200x128xi32>
    %shift_left3A_57 = arith.shli %get3A_53, %shift_left3A_56 : vector<32x200x128xi32>
    %bitcast_convert_type3A_58 = tpu.bitcast %shift_left3A_57 : vector<32x200x128xi32> -> vector<32x200x128xf32>
    %get3A_59 = arith.constant 0 : index
    %get3A_60 = arith.constant 0 : index
    %get3A_61 = arith.constant 0 : index
    %get3A_62 = vector.load %arg2[%get3A_59, %get3A_60, %get3A_61] : memref<32x200x16xf32, #tpu.memory_space<vmem>>, vector<32x200x16xf32>
    %reshape3A = vector.shape_cast %get3A_62 : vector<32x200x16xf32> to vector<6400x16xf32>
    %dot_general3A = arith.constant dense<0.000000e+00> : vector<6400x256xf32>
    %dot_general3A_63 = tpu.matmul %reshape3A, %mul3A_42, %dot_general3A {dimension_numbers = #tpu.dot_dimension_numbers<[1], [0], [0], [1], [0, 0, 1, 1], [], []>, transpose_lhs_hint = false} : vector<6400x16xf32>, vector<16x256xf32>, vector<6400x256xf32> -> vector<6400x256xf32>
    %slice3A_64 = vector.extract_strided_slice %concatenate3A {offsets = [0, 0], sizes = [1, 128], strides = [1, 1]} : vector<1x256xf32> to vector<1x128xf32>
    %broadcast_in_dim3A = vector.shape_cast %slice3A_64 : vector<1x128xf32> to vector<1x1x128xf32>
    %mul3A_65 = vector.broadcast %broadcast_in_dim3A : vector<1x1x128xf32> to vector<32x200x128xf32>
    %mul3A_66 = arith.mulf %bitcast_convert_type3A, %mul3A_65 : vector<32x200x128xf32>
    %slice3A_67 = vector.extract_strided_slice %dot_general3A_63 {offsets = [0, 0], sizes = [6400, 128], strides = [1, 1]} : vector<6400x256xf32> to vector<6400x128xf32>
    %reshape3A_68 = vector.shape_cast %slice3A_67 : vector<6400x128xf32> to vector<32x200x128xf32>
    %add3A_69 = arith.addf %mul3A_66, %reshape3A_68 : vector<32x200x128xf32>
    %slice3A_70 = vector.extract_strided_slice %add3A_49 {offsets = [0, 0], sizes = [200, 128], strides = [1, 1]} : vector<200x256xf32> to vector<200x128xf32>
    %broadcast_in_dim3A_71 = vector.shape_cast %slice3A_70 : vector<200x128xf32> to vector<1x200x128xf32>
    %add3A_72 = vector.broadcast %broadcast_in_dim3A_71 : vector<1x200x128xf32> to vector<32x200x128xf32>
    %add3A_73 = arith.addf %add3A_69, %add3A_72 : vector<32x200x128xf32>
    %slice3A_74 = vector.extract_strided_slice %concatenate3A {offsets = [0, 128], sizes = [1, 128], strides = [1, 1]} : vector<1x256xf32> to vector<1x128xf32>
    %broadcast_in_dim3A_75 = vector.shape_cast %slice3A_74 : vector<1x128xf32> to vector<1x1x128xf32>
    %mul3A_76 = vector.broadcast %broadcast_in_dim3A_75 : vector<1x1x128xf32> to vector<32x200x128xf32>
    %mul3A_77 = arith.mulf %bitcast_convert_type3A_58, %mul3A_76 : vector<32x200x128xf32>
    %slice3A_78 = vector.extract_strided_slice %dot_general3A_63 {offsets = [0, 128], sizes = [6400, 128], strides = [1, 1]} : vector<6400x256xf32> to vector<6400x128xf32>
    %reshape3A_79 = vector.shape_cast %slice3A_78 : vector<6400x128xf32> to vector<32x200x128xf32>
    %add3A_80 = arith.addf %mul3A_77, %reshape3A_79 : vector<32x200x128xf32>
    %slice3A_81 = vector.extract_strided_slice %add3A_49 {offsets = [0, 128], sizes = [200, 128], strides = [1, 1]} : vector<200x256xf32> to vector<200x128xf32>
    %broadcast_in_dim3A_82 = vector.shape_cast %slice3A_81 : vector<200x128xf32> to vector<1x200x128xf32>
    %add3A_83 = vector.broadcast %broadcast_in_dim3A_82 : vector<1x200x128xf32> to vector<32x200x128xf32>
    %add3A_84 = arith.addf %add3A_80, %add3A_83 : vector<32x200x128xf32>
    %exp23A = math.exp2 %add3A_84 : vector<32x200x128xf32>
    %add3A_85 = arith.constant 1.000000e+00 : f32
    %add3A_86 = vector.broadcast %add3A_85 : f32 to vector<32x200x128xf32>
    %add3A_87 = arith.addf %add3A_86, %exp23A : vector<32x200x128xf32>
    %log3A = math.log %add3A_87 : vector<32x200x128xf32>
    %log3A_88 = arith.constant 2.000000e+00 : f32
    %log3A_89 = math.log %log3A_88 : f32
    %div3A = vector.broadcast %log3A_89 : f32 to vector<32x200x128xf32>
    %div3A_90 = arith.divf %log3A, %div3A : vector<32x200x128xf32>
    %exp23A_91 = math.exp2 %add3A_73 : vector<32x200x128xf32>
    %add3A_92 = arith.constant 1.000000e+00 : f32
    %add3A_93 = vector.broadcast %add3A_92 : f32 to vector<32x200x128xf32>
    %add3A_94 = arith.addf %add3A_93, %exp23A_91 : vector<32x200x128xf32>
    %div3A_95 = arith.divf %div3A_90, %add3A_94 : vector<32x200x128xf32>
    %reduce_sum3A = arith.constant dense<0.000000e+00> : vector<200x128xf32>
    %reduce_sum3A_96 = vector.multi_reduction <add>, %div3A_95, %reduce_sum3A [0] : vector<32x200x128xf32> to vector<200x128xf32>
    %swap3A = arith.constant 0 : index
    %swap3A_97 = arith.constant 0 : index
    %swap3A_98 = vector.load %arg9[%swap3A, %swap3A_97] : memref<200x128xf32, #tpu.memory_space<vmem>>, vector<200x128xf32>
    tpu.vector_store %arg9[%swap3A, %swap3A_97], %reduce_sum3A_96 {strides = array<i32>} : memref<200x128xf32, #tpu.memory_space<vmem>>, vector<200x128xf32>,
    %eq3A = arith.constant 0 : i32
    %eq3A_99 = arith.cmpi eq, %arg0, %eq3A : i32
    %convert_element_type3A = arith.extui %eq3A_99 : i1 to i32
    %cond3A = arith.constant 0 : i32
    %cond3A_100 = arith.cmpi ne, %convert_element_type3A, %cond3A : i32
    scf.if %cond3A_100 {
      %broadcast_in_dim3A_127 = arith.constant 0.000000e+00 : f32
      %broadcast_in_dim3A_128 = vector.broadcast %broadcast_in_dim3A_127 : f32 to vector<1x128xf32>
      %swap3A_129 = arith.constant 0 : index
      %swap3A_130 = arith.constant 0 : index
      %swap3A_131 = vector.load %arg12[%swap3A_129, %swap3A_130] : memref<1x128xf32, #tpu.memory_space<vmem>>, vector<1x128xf32>
      tpu.vector_store %arg12[%swap3A_129, %swap3A_130], %broadcast_in_dim3A_128 {strides = array<i32>} : memref<1x128xf32, #tpu.memory_space<vmem>>, vector<1x128xf32>,
      %broadcast_in_dim3A_132 = arith.constant 0.000000e+00 : f32
      %broadcast_in_dim3A_133 = vector.broadcast %broadcast_in_dim3A_132 : f32 to vector<1x128xf32>
      %swap3A_134 = arith.constant 0 : index
      %swap3A_135 = arith.constant 0 : index
      %swap3A_136 = vector.load %arg13[%swap3A_134, %swap3A_135] : memref<1x128xf32, #tpu.memory_space<vmem>>, vector<1x128xf32>
      tpu.vector_store %arg13[%swap3A_134, %swap3A_135], %broadcast_in_dim3A_133 {strides = array<i32>} : memref<1x128xf32, #tpu.memory_space<vmem>>, vector<1x128xf32>,
    } else {
    }
    %get3A_101 = arith.constant 0 : index
    %get3A_102 = arith.constant 0 : index
    %get3A_103 = vector.load %arg12[%get3A_101, %get3A_102] : memref<1x128xf32, #tpu.memory_space<vmem>>, vector<1x128xf32>
    %reduce_sum3A_104 = arith.constant dense<0.000000e+00> : vector<128xf32>
    %reduce_sum3A_105 = vector.multi_reduction <add>, %reduce_sum3A_96, %reduce_sum3A_104 [0] : vector<200x128xf32> to vector<128xf32>
    %broadcast_in_dim3A_106 = vector.shape_cast %reduce_sum3A_105 : vector<128xf32> to vector<1x128xf32>
    %add3A_107 = arith.addf %get3A_103, %broadcast_in_dim3A_106 : vector<1x128xf32>
    %swap3A_108 = arith.constant 0 : index
    %swap3A_109 = arith.constant 0 : index
    %swap3A_110 = vector.load %arg12[%swap3A_108, %swap3A_109] : memref<1x128xf32, #tpu.memory_space<vmem>>, vector<1x128xf32>
    tpu.vector_store %arg12[%swap3A_108, %swap3A_109], %add3A_107 {strides = array<i32>} : memref<1x128xf32, #tpu.memory_space<vmem>>, vector<1x128xf32>,
    %get3A_111 = arith.constant 0 : index
    %get3A_112 = arith.constant 0 : index
    %get3A_113 = vector.load %arg13[%get3A_111, %get3A_112] : memref<1x128xf32, #tpu.memory_space<vmem>>, vector<1x128xf32>
    %mul3A_114 = arith.mulf %reduce_sum3A_96, %reduce_sum3A_96 : vector<200x128xf32>
    %reduce_sum3A_115 = arith.constant dense<0.000000e+00> : vector<128xf32>
    %reduce_sum3A_116 = vector.multi_reduction <add>, %mul3A_114, %reduce_sum3A_115 [0] : vector<200x128xf32> to vector<128xf32>
    %broadcast_in_dim3A_117 = vector.shape_cast %reduce_sum3A_116 : vector<128xf32> to vector<1x128xf32>
    %add3A_118 = arith.addf %get3A_113, %broadcast_in_dim3A_117 : vector<1x128xf32>
    %swap3A_119 = arith.constant 0 : index
    %swap3A_120 = arith.constant 0 : index
    %swap3A_121 = vector.load %arg13[%swap3A_119, %swap3A_120] : memref<1x128xf32, #tpu.memory_space<vmem>>, vector<1x128xf32>
    tpu.vector_store %arg13[%swap3A_119, %swap3A_120], %add3A_118 {strides = array<i32>} : memref<1x128xf32, #tpu.memory_space<vmem>>, vector<1x128xf32>,
    %eq3A_122 = arith.constant 24 : i32
    %eq3A_123 = arith.cmpi eq, %arg0, %eq3A_122 : i32
    %convert_element_type3A_124 = arith.extui %eq3A_123 : i1 to i32
    %cond3A_125 = arith.constant 0 : i32
    %cond3A_126 = arith.cmpi ne, %convert_element_type3A_124, %cond3A_125 : i32
    scf.if %cond3A_126 {
      %get3A_127 = arith.constant 0 : index
      %get3A_128 = arith.constant 0 : index
      %get3A_129 = vector.load %arg12[%get3A_127, %get3A_128] : memref<1x128xf32, #tpu.memory_space<vmem>>, vector<1x128xf32>
      %swap3A_130 = arith.constant 0 : index
      %swap3A_131 = arith.constant 0 : index
      %swap3A_132 = vector.load %arg10[%swap3A_130, %swap3A_131] : memref<1x128xf32, #tpu.memory_space<vmem>>, vector<1x128xf32>
      tpu.vector_store %arg10[%swap3A_130, %swap3A_131], %get3A_129 {strides = array<i32>} : memref<1x128xf32, #tpu.memory_space<vmem>>, vector<1x128xf32>,
      %get3A_133 = arith.constant 0 : index
      %get3A_134 = arith.constant 0 : index
      %get3A_135 = vector.load %arg13[%get3A_133, %get3A_134] : memref<1x128xf32, #tpu.memory_space<vmem>>, vector<1x128xf32>
      %swap3A_136 = arith.constant 0 : index
      %swap3A_137 = arith.constant 0 : index
      %swap3A_138 = vector.load %arg11[%swap3A_136, %swap3A_137] : memref<1x128xf32, #tpu.memory_space<vmem>>, vector<1x128xf32>
      tpu.vector_store %arg11[%swap3A_136, %swap3A_137], %get3A_135 {strides = array<i32>} : memref<1x128xf32, #tpu.memory_space<vmem>>, vector<1x128xf32>,
    } else {
    }
    return
  }
  func.func @transform_0(%arg0: i32) -> (i32, i32, i32) {
    %c0_i32 = arith.constant 0 : i32
    %c0_i32_0 = arith.constant 0 : i32
    %c0_i32_1 = arith.constant 0 : i32
    return %c0_i32, %arg0, %c0_i32_0 : i32, i32, i32
  }
  func.func @transform_1(%arg0: i32) -> (i32, i32, i32) {
    %add3A = arith.constant 25 : i32
    %add3A_0 = arith.addi %arg0, %add3A : i32
    %c0_i32 = arith.constant 0 : i32
    %c0_i32_1 = arith.constant 0 : i32
    %c0_i32_2 = arith.constant 0 : i32
    return %c0_i32, %add3A_0, %c0_i32_1 : i32, i32, i32
  }
  func.func @transform_2(%arg0: i32) -> (i32, i32) {
    %add3A = arith.constant 25 : i32
    %add3A_0 = arith.addi %arg0, %add3A : i32
    %c0_i32 = arith.constant 0 : i32
    %c0_i32_1 = arith.constant 0 : i32
    return %add3A_0, %c0_i32 : i32, i32
  }
  func.func @transform_3(%arg0: i32) -> (i32, i32) {
    %c0_i32 = arith.constant 0 : i32
    %c0_i32_0 = arith.constant 0 : i32
    %c0_i32_1 = arith.constant 0 : i32
    return %c0_i32, %c0_i32_0 : i32, i32
  }
  func.func @transform_4(%arg0: i32) -> (i32, i32) {
    %c0_i32 = arith.constant 0 : i32
    %c0_i32_0 = arith.constant 0 : i32
    %c0_i32_1 = arith.constant 0 : i32
    return %c0_i32, %c0_i32_0 : i32, i32
  }
  func.func @transform_5(%arg0: i32) -> (i32, i32) {
    %c0_i32 = arith.constant 0 : i32
    %c0_i32_0 = arith.constant 0 : i32
    %c0_i32_1 = arith.constant 0 : i32
    return %c0_i32, %c0_i32_0 : i32, i32
  }
  func.func @transform_6(%arg0: i32) -> (i32, i32) {
    %c0_i32 = arith.constant 0 : i32
    %c0_i32_0 = arith.constant 0 : i32
    %c0_i32_1 = arith.constant 0 : i32
    return %c0_i32, %c0_i32_0 : i32, i32
  }
  func.func @transform_7(%arg0: i32) -> (i32, i32) {
    %c0_i32 = arith.constant 0 : i32
    %c0_i32_0 = arith.constant 0 : i32
    %c0_i32_1 = arith.constant 0 : i32
    return %c0_i32, %c0_i32_0 : i32, i32
  }
  func.func @transform_8(%arg0: i32) -> (i32, i32) {
    %c0_i32 = arith.constant 0 : i32
    %c0_i32_0 = arith.constant 0 : i32
    return %arg0, %c0_i32 : i32, i32
  }
  func.func @transform_9(%arg0: i32) -> (i32, i32) {
    %c0_i32 = arith.constant 0 : i32
    %c0_i32_0 = arith.constant 0 : i32
    %c0_i32_1 = arith.constant 0 : i32
    return %c0_i32, %c0_i32_0 : i32, i32
  }
  func.func @transform_10(%arg0: i32) -> (i32, i32) {
    %c0_i32 = arith.constant 0 : i32
    %c0_i32_0 = arith.constant 0 : i32
    %c0_i32_1 = arith.constant 0 : i32
    return %c0_i32, %c0_i32_0 : i32, i32
  }
}

module attributes {stable_mosaic.version = 14 : i64} {
  func.func @body(%arg0: i32, %arg1: memref<32x200x128xi32, #tpu.memory_space<vmem>>, %arg2: memref<32x200x16xf32, #tpu.memory_space<vmem>>, %arg3: memref<200x256xf32, #tpu.memory_space<vmem>>, %arg4: memref<16x256xf32, #tpu.memory_space<vmem>>, %arg5: memref<2x128xf32, #tpu.memory_space<vmem>>, %arg6: memref<2x128xf32, #tpu.memory_space<vmem>>, %arg7: memref<2x128xf32, #tpu.memory_space<vmem>>, %arg8: memref<2x128xf32, #tpu.memory_space<vmem>>, %arg9: memref<200x128xf32, #tpu.memory_space<vmem>>, %arg10: memref<1x128xf32, #tpu.memory_space<vmem>>, %arg11: memref<1x128xf32, #tpu.memory_space<vmem>>, %arg12: memref<1x128xf32, #tpu.memory_space<vmem>>, %arg13: memref<1x128xf32, #tpu.memory_space<vmem>>) attributes {dimension_semantics = [#tpu.dimension_semantics<arbitrary>], iteration_bounds = array<i64: 25>, scalar_prefetch = 0 : i64, scratch_operands = 2 : i64, tpu.core_type = #tpu.core_type<tc>, window_params = [{transform_indices = @transform_0, window_bounds = array<i64: 32, 200, 128>}, {transform_indices = @transform_1, window_bounds = array<i64: 32, 200, 16>}, {transform_indices = @transform_2, window_bounds = array<i64: 200, 256>}, {pipeline_mode = #tpu.pipeline_mode<synchronous>, transform_indices = @transform_3, window_bounds = array<i64: 16, 256>}, {pipeline_mode = #tpu.pipeline_mode<synchronous>, transform_indices = @transform_4, window_bounds = array<i64: 2, 128>}, {pipeline_mode = #tpu.pipeline_mode<synchronous>, transform_indices = @transform_5, window_bounds = array<i64: 2, 128>}, {pipeline_mode = #tpu.pipeline_mode<synchronous>, transform_indices = @transform_6, window_bounds = array<i64: 2, 128>}, {pipeline_mode = #tpu.pipeline_mode<synchronous>, transform_indices = @transform_7, window_bounds = array<i64: 2, 128>}, {transform_indices = @transform_8, window_bounds = array<i64: 200, 128>}, {pipeline_mode = #tpu.pipeline_mode<synchronous>, transform_indices = @transform_9, window_bounds = array<i64: 1, 128>}, {pipeline_mode = #tpu.pipeline_mode<synchronous>, transform_indices = @transform_10, window_bounds = array<i64: 1, 128>}]} {
    %get3A = arith.constant 0 : index
    %get3A_0 = arith.constant 0 : index
    %get3A_1 = vector.load %arg5[%get3A, %get3A_0] : memref<2x128xf32, #tpu.memory_space<vmem>>, vector<2x128xf32>
    %mul3A = arith.constant 3.125000e-06 : f32
    %mul3A_2 = vector.broadcast %mul3A : f32 to vector<2x128xf32>
    %mul3A_3 = arith.mulf %get3A_1, %mul3A_2 : vector<2x128xf32>
    %get3A_4 = arith.constant 0 : index
    %get3A_5 = arith.constant 0 : index
    %get3A_6 = vector.load %arg6[%get3A_4, %get3A_5] : memref<2x128xf32, #tpu.memory_space<vmem>>, vector<2x128xf32>
    %mul3A_7 = arith.constant 3.125000e-06 : f32
    %mul3A_8 = vector.broadcast %mul3A_7 : f32 to vector<2x128xf32>
    %mul3A_9 = arith.mulf %get3A_6, %mul3A_8 : vector<2x128xf32>
    %mul3A_10 = arith.mulf %mul3A_3, %mul3A_3 : vector<2x128xf32>
    %sub3A = arith.subf %mul3A_9, %mul3A_10 : vector<2x128xf32>
    %get3A_11 = arith.constant 0 : index
    %get3A_12 = arith.constant 0 : index
    %get3A_13 = vector.load %arg7[%get3A_11, %get3A_12] : memref<2x128xf32, #tpu.memory_space<vmem>>, vector<2x128xf32>
    %add3A = arith.constant 9.99999974E-6 : f32
    %add3A_14 = vector.broadcast %add3A : f32 to vector<2x128xf32>
    %add3A_15 = arith.addf %sub3A, %add3A_14 : vector<2x128xf32>
    %rsqrt3A = math.rsqrt %add3A_15 : vector<2x128xf32>
    %mul3A_16 = arith.mulf %get3A_13, %rsqrt3A : vector<2x128xf32>
    %get3A_17 = arith.constant 0 : index
    %get3A_18 = arith.constant 0 : index
    %get3A_19 = vector.load %arg8[%get3A_17, %get3A_18] : memref<2x128xf32, #tpu.memory_space<vmem>>, vector<2x128xf32>
    %mul3A_20 = arith.mulf %mul3A_3, %mul3A_16 : vector<2x128xf32>
    %sub3A_21 = arith.subf %get3A_19, %mul3A_20 : vector<2x128xf32>
    %slice3A = vector.extract_strided_slice %mul3A_16 {offsets = [0, 0], sizes = [1, 128], strides = [1, 1]} : vector<2x128xf32> to vector<1x128xf32>
    %mul3A_22 = arith.constant -1.44269502 : f32
    %mul3A_23 = vector.broadcast %mul3A_22 : f32 to vector<1x128xf32>
    %mul3A_24 = arith.mulf %slice3A, %mul3A_23 : vector<1x128xf32>
    %slice3A_25 = vector.extract_strided_slice %mul3A_16 {offsets = [1, 0], sizes = [1, 128], strides = [1, 1]} : vector<2x128xf32> to vector<1x128xf32>
    %mul3A_26 = arith.constant 1.44269502 : f32
    %mul3A_27 = vector.broadcast %mul3A_26 : f32 to vector<1x128xf32>
    %mul3A_28 = arith.mulf %slice3A_25, %mul3A_27 : vector<1x128xf32>
    %concatenate3A = tpu.concatenate %mul3A_24, %mul3A_28 in 1 : vector<1x128xf32>, vector<1x128xf32> -> vector<1x256xf32>
    %slice3A_29 = vector.extract_strided_slice %sub3A_21 {offsets = [0, 0], sizes = [1, 128], strides = [1, 1]} : vector<2x128xf32> to vector<1x128xf32>
    %mul3A_30 = arith.constant -1.44269502 : f32
    %mul3A_31 = vector.broadcast %mul3A_30 : f32 to vector<1x128xf32>
    %mul3A_32 = arith.mulf %slice3A_29, %mul3A_31 : vector<1x128xf32>
    %slice3A_33 = vector.extract_strided_slice %sub3A_21 {offsets = [1, 0], sizes = [1, 128], strides = [1, 1]} : vector<2x128xf32> to vector<1x128xf32>
    %mul3A_34 = arith.constant 1.44269502 : f32
    %mul3A_35 = vector.broadcast %mul3A_34 : f32 to vector<1x128xf32>
    %mul3A_36 = arith.mulf %slice3A_33, %mul3A_35 : vector<1x128xf32>
    %concatenate3A_37 = tpu.concatenate %mul3A_32, %mul3A_36 in 1 : vector<1x128xf32>, vector<1x128xf32> -> vector<1x256xf32>
    %get3A_38 = arith.constant 0 : index
    %get3A_39 = arith.constant 0 : index
    %get3A_40 = vector.load %arg4[%get3A_38, %get3A_39] : memref<16x256xf32, #tpu.memory_space<vmem>>, vector<16x256xf32>
    %mul3A_41 = vector.broadcast %concatenate3A : vector<1x256xf32> to vector<16x256xf32>
    %mul3A_42 = arith.mulf %get3A_40, %mul3A_41 : vector<16x256xf32>
    %get3A_43 = arith.constant 0 : index
    %get3A_44 = arith.constant 0 : index
    %get3A_45 = vector.load %arg3[%get3A_43, %get3A_44] : memref<200x256xf32, #tpu.memory_space<vmem>>, vector<200x256xf32>
    %mul3A_46 = vector.broadcast %concatenate3A : vector<1x256xf32> to vector<200x256xf32>
    %mul3A_47 = arith.mulf %get3A_45, %mul3A_46 : vector<200x256xf32>
    %add3A_48 = vector.broadcast %concatenate3A_37 : vector<1x256xf32> to vector<200x256xf32>
    %add3A_49 = arith.addf %mul3A_47, %add3A_48 : vector<200x256xf32>
    %get3A_50 = arith.constant 0 : index
    %get3A_51 = arith.constant 0 : index
    %get3A_52 = arith.constant 0 : index
    %get3A_53 = vector.load %arg1[%get3A_50, %get3A_51, %get3A_52] : memref<32x200x128xi32, #tpu.memory_space<vmem>>, vector<32x200x128xi32>
    %and3A = arith.constant -65536 : i32
    %and3A_54 = vector.broadcast %and3A : i32 to vector<32x200x128xi32>
    %and3A_55 = arith.andi %get3A_53, %and3A_54 : vector<32x200x128xi32>
    %bitcast_convert_type3A = tpu.bitcast %and3A_55 : vector<32x200x128xi32> -> vector<32x200x128xf32>
    %shift_left3A = arith.constant 16 : i32
    %shift_left3A_56 = vector.broadcast %shift_left3A : i32 to vector<32x200x128xi32>
    %shift_left3A_57 = arith.shli %get3A_53, %shift_left3A_56 : vector<32x200x128xi32>
    %bitcast_convert_type3A_58 = tpu.bitcast %shift_left3A_57 : vector<32x200x128xi32> -> vector<32x200x128xf32>
    %get3A_59 = arith.constant 0 : index
    %get3A_60 = arith.constant 0 : index
    %get3A_61 = arith.constant 0 : index
    %get3A_62 = vector.load %arg2[%get3A_59, %get3A_60, %get3A_61] : memref<32x200x16xf32, #tpu.memory_space<vmem>>, vector<32x200x16xf32>
    %reshape3A = vector.shape_cast %get3A_62 : vector<32x200x16xf32> to vector<6400x16xf32>
    %dot_general3A = arith.constant dense<0.000000e+00> : vector<6400x256xf32>
    %dot_general3A_63 = tpu.matmul %reshape3A, %mul3A_42, %dot_general3A {dimension_numbers = #tpu.dot_dimension_numbers<[1], [0], [0], [1], [0, 0, 1, 1], [], []>, transpose_lhs_hint = false} : vector<6400x16xf32>, vector<16x256xf32>, vector<6400x256xf32> -> vector<6400x256xf32>
    %slice3A_64 = vector.extract_strided_slice %concatenate3A {offsets = [0, 0], sizes = [1, 128], strides = [1, 1]} : vector<1x256xf32> to vector<1x128xf32>
    %broadcast_in_dim3A = vector.shape_cast %slice3A_64 : vector<1x128xf32> to vector<1x1x128xf32>
    %mul3A_65 = vector.broadcast %broadcast_in_dim3A : vector<1x1x128xf32> to vector<32x200x128xf32>
    %mul3A_66 = arith.mulf %bitcast_convert_type3A, %mul3A_65 : vector<32x200x128xf32>
    %slice3A_67 = vector.extract_strided_slice %dot_general3A_63 {offsets = [0, 0], sizes = [6400, 128], strides = [1, 1]} : vector<6400x256xf32> to vector<6400x128xf32>
    %reshape3A_68 = vector.shape_cast %slice3A_67 : vector<6400x128xf32> to vector<32x200x128xf32>
    %add3A_69 = arith.addf %mul3A_66, %reshape3A_68 : vector<32x200x128xf32>
    %slice3A_70 = vector.extract_strided_slice %add3A_49 {offsets = [0, 0], sizes = [200, 128], strides = [1, 1]} : vector<200x256xf32> to vector<200x128xf32>
    %broadcast_in_dim3A_71 = vector.shape_cast %slice3A_70 : vector<200x128xf32> to vector<1x200x128xf32>
    %add3A_72 = vector.broadcast %broadcast_in_dim3A_71 : vector<1x200x128xf32> to vector<32x200x128xf32>
    %add3A_73 = arith.addf %add3A_69, %add3A_72 : vector<32x200x128xf32>
    %slice3A_74 = vector.extract_strided_slice %concatenate3A {offsets = [0, 128], sizes = [1, 128], strides = [1, 1]} : vector<1x256xf32> to vector<1x128xf32>
    %broadcast_in_dim3A_75 = vector.shape_cast %slice3A_74 : vector<1x128xf32> to vector<1x1x128xf32>
    %mul3A_76 = vector.broadcast %broadcast_in_dim3A_75 : vector<1x1x128xf32> to vector<32x200x128xf32>
    %mul3A_77 = arith.mulf %bitcast_convert_type3A_58, %mul3A_76 : vector<32x200x128xf32>
    %slice3A_78 = vector.extract_strided_slice %dot_general3A_63 {offsets = [0, 128], sizes = [6400, 128], strides = [1, 1]} : vector<6400x256xf32> to vector<6400x128xf32>
    %reshape3A_79 = vector.shape_cast %slice3A_78 : vector<6400x128xf32> to vector<32x200x128xf32>
    %add3A_80 = arith.addf %mul3A_77, %reshape3A_79 : vector<32x200x128xf32>
    %slice3A_81 = vector.extract_strided_slice %add3A_49 {offsets = [0, 128], sizes = [200, 128], strides = [1, 1]} : vector<200x256xf32> to vector<200x128xf32>
    %broadcast_in_dim3A_82 = vector.shape_cast %slice3A_81 : vector<200x128xf32> to vector<1x200x128xf32>
    %add3A_83 = vector.broadcast %broadcast_in_dim3A_82 : vector<1x200x128xf32> to vector<32x200x128xf32>
    %add3A_84 = arith.addf %add3A_80, %add3A_83 : vector<32x200x128xf32>
    %exp23A = math.exp2 %add3A_84 : vector<32x200x128xf32>
    %add3A_85 = arith.constant 1.000000e+00 : f32
    %add3A_86 = vector.broadcast %add3A_85 : f32 to vector<32x200x128xf32>
    %add3A_87 = arith.addf %add3A_86, %exp23A : vector<32x200x128xf32>
    %log3A = math.log %add3A_87 : vector<32x200x128xf32>
    %log3A_88 = arith.constant 2.000000e+00 : f32
    %log3A_89 = math.log %log3A_88 : f32
    %div3A = vector.broadcast %log3A_89 : f32 to vector<32x200x128xf32>
    %div3A_90 = arith.divf %log3A, %div3A : vector<32x200x128xf32>
    %exp23A_91 = math.exp2 %add3A_73 : vector<32x200x128xf32>
    %add3A_92 = arith.constant 1.000000e+00 : f32
    %add3A_93 = vector.broadcast %add3A_92 : f32 to vector<32x200x128xf32>
    %add3A_94 = arith.addf %add3A_93, %exp23A_91 : vector<32x200x128xf32>
    %div3A_95 = arith.divf %div3A_90, %add3A_94 : vector<32x200x128xf32>
    %reduce_sum3A = arith.constant dense<0.000000e+00> : vector<200x128xf32>
    %reduce_sum3A_96 = vector.multi_reduction <add>, %div3A_95, %reduce_sum3A [0] : vector<32x200x128xf32> to vector<200x128xf32>
    %swap3A = arith.constant 0 : index
    %swap3A_97 = arith.constant 0 : index
    %swap3A_98 = vector.load %arg9[%swap3A, %swap3A_97] : memref<200x128xf32, #tpu.memory_space<vmem>>, vector<200x128xf32>
    tpu.vector_store %arg9[%swap3A, %swap3A_97], %reduce_sum3A_96 {strides = array<i32>} : memref<200x128xf32, #tpu.memory_space<vmem>>, vector<200x128xf32>,
    %eq3A = arith.constant 0 : i32
    %eq3A_99 = arith.cmpi eq, %arg0, %eq3A : i32
    %convert_element_type3A = arith.extui %eq3A_99 : i1 to i32
    %cond3A = arith.constant 0 : i32
    %cond3A_100 = arith.cmpi ne, %convert_element_type3A, %cond3A : i32
    scf.if %cond3A_100 {
      %broadcast_in_dim3A_127 = arith.constant 0.000000e+00 : f32
      %broadcast_in_dim3A_128 = vector.broadcast %broadcast_in_dim3A_127 : f32 to vector<1x128xf32>
      %swap3A_129 = arith.constant 0 : index
      %swap3A_130 = arith.constant 0 : index
      %swap3A_131 = vector.load %arg12[%swap3A_129, %swap3A_130] : memref<1x128xf32, #tpu.memory_space<vmem>>, vector<1x128xf32>
      tpu.vector_store %arg12[%swap3A_129, %swap3A_130], %broadcast_in_dim3A_128 {strides = array<i32>} : memref<1x128xf32, #tpu.memory_space<vmem>>, vector<1x128xf32>,
      %broadcast_in_dim3A_132 = arith.constant 0.000000e+00 : f32
      %broadcast_in_dim3A_133 = vector.broadcast %broadcast_in_dim3A_132 : f32 to vector<1x128xf32>
      %swap3A_134 = arith.constant 0 : index
      %swap3A_135 = arith.constant 0 : index
      %swap3A_136 = vector.load %arg13[%swap3A_134, %swap3A_135] : memref<1x128xf32, #tpu.memory_space<vmem>>, vector<1x128xf32>
      tpu.vector_store %arg13[%swap3A_134, %swap3A_135], %broadcast_in_dim3A_133 {strides = array<i32>} : memref<1x128xf32, #tpu.memory_space<vmem>>, vector<1x128xf32>,
    } else {
    }
    %get3A_101 = arith.constant 0 : index
    %get3A_102 = arith.constant 0 : index
    %get3A_103 = vector.load %arg12[%get3A_101, %get3A_102] : memref<1x128xf32, #tpu.memory_space<vmem>>, vector<1x128xf32>
    %reduce_sum3A_104 = arith.constant dense<0.000000e+00> : vector<128xf32>
    %reduce_sum3A_105 = vector.multi_reduction <add>, %reduce_sum3A_96, %reduce_sum3A_104 [0] : vector<200x128xf32> to vector<128xf32>
    %broadcast_in_dim3A_106 = vector.shape_cast %reduce_sum3A_105 : vector<128xf32> to vector<1x128xf32>
    %add3A_107 = arith.addf %get3A_103, %broadcast_in_dim3A_106 : vector<1x128xf32>
    %swap3A_108 = arith.constant 0 : index
    %swap3A_109 = arith.constant 0 : index
    %swap3A_110 = vector.load %arg12[%swap3A_108, %swap3A_109] : memref<1x128xf32, #tpu.memory_space<vmem>>, vector<1x128xf32>
    tpu.vector_store %arg12[%swap3A_108, %swap3A_109], %add3A_107 {strides = array<i32>} : memref<1x128xf32, #tpu.memory_space<vmem>>, vector<1x128xf32>,
    %get3A_111 = arith.constant 0 : index
    %get3A_112 = arith.constant 0 : index
    %get3A_113 = vector.load %arg13[%get3A_111, %get3A_112] : memref<1x128xf32, #tpu.memory_space<vmem>>, vector<1x128xf32>
    %mul3A_114 = arith.mulf %reduce_sum3A_96, %reduce_sum3A_96 : vector<200x128xf32>
    %reduce_sum3A_115 = arith.constant dense<0.000000e+00> : vector<128xf32>
    %reduce_sum3A_116 = vector.multi_reduction <add>, %mul3A_114, %reduce_sum3A_115 [0] : vector<200x128xf32> to vector<128xf32>
    %broadcast_in_dim3A_117 = vector.shape_cast %reduce_sum3A_116 : vector<128xf32> to vector<1x128xf32>
    %add3A_118 = arith.addf %get3A_113, %broadcast_in_dim3A_117 : vector<1x128xf32>
    %swap3A_119 = arith.constant 0 : index
    %swap3A_120 = arith.constant 0 : index
    %swap3A_121 = vector.load %arg13[%swap3A_119, %swap3A_120] : memref<1x128xf32, #tpu.memory_space<vmem>>, vector<1x128xf32>
    tpu.vector_store %arg13[%swap3A_119, %swap3A_120], %add3A_118 {strides = array<i32>} : memref<1x128xf32, #tpu.memory_space<vmem>>, vector<1x128xf32>,
    %eq3A_122 = arith.constant 24 : i32
    %eq3A_123 = arith.cmpi eq, %arg0, %eq3A_122 : i32
    %convert_element_type3A_124 = arith.extui %eq3A_123 : i1 to i32
    %cond3A_125 = arith.constant 0 : i32
    %cond3A_126 = arith.cmpi ne, %convert_element_type3A_124, %cond3A_125 : i32
    scf.if %cond3A_126 {
      %get3A_127 = arith.constant 0 : index
      %get3A_128 = arith.constant 0 : index
      %get3A_129 = vector.load %arg12[%get3A_127, %get3A_128] : memref<1x128xf32, #tpu.memory_space<vmem>>, vector<1x128xf32>
      %swap3A_130 = arith.constant 0 : index
      %swap3A_131 = arith.constant 0 : index
      %swap3A_132 = vector.load %arg10[%swap3A_130, %swap3A_131] : memref<1x128xf32, #tpu.memory_space<vmem>>, vector<1x128xf32>
      tpu.vector_store %arg10[%swap3A_130, %swap3A_131], %get3A_129 {strides = array<i32>} : memref<1x128xf32, #tpu.memory_space<vmem>>, vector<1x128xf32>,
      %get3A_133 = arith.constant 0 : index
      %get3A_134 = arith.constant 0 : index
      %get3A_135 = vector.load %arg13[%get3A_133, %get3A_134] : memref<1x128xf32, #tpu.memory_space<vmem>>, vector<1x128xf32>
      %swap3A_136 = arith.constant 0 : index
      %swap3A_137 = arith.constant 0 : index
      %swap3A_138 = vector.load %arg11[%swap3A_136, %swap3A_137] : memref<1x128xf32, #tpu.memory_space<vmem>>, vector<1x128xf32>
      tpu.vector_store %arg11[%swap3A_136, %swap3A_137], %get3A_135 {strides = array<i32>} : memref<1x128xf32, #tpu.memory_space<vmem>>, vector<1x128xf32>,
    } else {
    }
    return
  }
  func.func @transform_0(%arg0: i32) -> (i32, i32, i32) {
    %c0_i32 = arith.constant 0 : i32
    %c0_i32_0 = arith.constant 0 : i32
    %c0_i32_1 = arith.constant 0 : i32
    return %c0_i32, %arg0, %c0_i32_0 : i32, i32, i32
  }
  func.func @transform_1(%arg0: i32) -> (i32, i32, i32) {
    %add3A = arith.constant 0 : i32
    %add3A_0 = arith.addi %arg0, %add3A : i32
    %c0_i32 = arith.constant 0 : i32
    %c0_i32_1 = arith.constant 0 : i32
    %c0_i32_2 = arith.constant 0 : i32
    return %c0_i32, %add3A_0, %c0_i32_1 : i32, i32, i32
  }
  func.func @transform_2(%arg0: i32) -> (i32, i32) {
    %add3A = arith.constant 0 : i32
    %add3A_0 = arith.addi %arg0, %add3A : i32
    %c0_i32 = arith.constant 0 : i32
    %c0_i32_1 = arith.constant 0 : i32
    return %add3A_0, %c0_i32 : i32, i32
  }
  func.func @transform_3(%arg0: i32) -> (i32, i32) {
    %c0_i32 = arith.constant 0 : i32
    %c0_i32_0 = arith.constant 0 : i32
    %c0_i32_1 = arith.constant 0 : i32
    return %c0_i32, %c0_i32_0 : i32, i32
  }
  func.func @transform_4(%arg0: i32) -> (i32, i32) {
    %c0_i32 = arith.constant 0 : i32
    %c0_i32_0 = arith.constant 0 : i32
    %c0_i32_1 = arith.constant 0 : i32
    return %c0_i32, %c0_i32_0 : i32, i32
  }
  func.func @transform_5(%arg0: i32) -> (i32, i32) {
    %c0_i32 = arith.constant 0 : i32
    %c0_i32_0 = arith.constant 0 : i32
    %c0_i32_1 = arith.constant 0 : i32
    return %c0_i32, %c0_i32_0 : i32, i32
  }
  func.func @transform_6(%arg0: i32) -> (i32, i32) {
    %c0_i32 = arith.constant 0 : i32
    %c0_i32_0 = arith.constant 0 : i32
    %c0_i32_1 = arith.constant 0 : i32
    return %c0_i32, %c0_i32_0 : i32, i32
  }
  func.func @transform_7(%arg0: i32) -> (i32, i32) {
    %c0_i32 = arith.constant 0 : i32
    %c0_i32_0 = arith.constant 0 : i32
    %c0_i32_1 = arith.constant 0 : i32
    return %c0_i32, %c0_i32_0 : i32, i32
  }
  func.func @transform_8(%arg0: i32) -> (i32, i32) {
    %c0_i32 = arith.constant 0 : i32
    %c0_i32_0 = arith.constant 0 : i32
    return %arg0, %c0_i32 : i32, i32
  }
  func.func @transform_9(%arg0: i32) -> (i32, i32) {
    %c0_i32 = arith.constant 0 : i32
    %c0_i32_0 = arith.constant 0 : i32
    %c0_i32_1 = arith.constant 0 : i32
    return %c0_i32, %c0_i32_0 : i32, i32
  }
  func.func @transform_10(%arg0: i32) -> (i32, i32) {
    %c0_i32 = arith.constant 0 : i32
    %c0_i32_0 = arith.constant 0 : i32
    %c0_i32_1 = arith.constant 0 : i32
    return %c0_i32, %c0_i32_0 : i32, i32
  }
}

module attributes {stable_mosaic.version = 14 : i64} {
  func.func @_final_body(%arg0: i32, %arg1: memref<2000x128xf32, #tpu.memory_space<vmem>>, %arg2: memref<2000x128xf32, #tpu.memory_space<vmem>>, %arg3: memref<1x128xf32, #tpu.memory_space<vmem>>, %arg4: memref<1x128xf32, #tpu.memory_space<vmem>>, %arg5: memref<1x128xf32, #tpu.memory_space<vmem>>, %arg6: memref<1x128xf32, #tpu.memory_space<vmem>>, %arg7: memref<2000x128xf32, #tpu.memory_space<vmem>>) attributes {dimension_semantics = [#tpu.dimension_semantics<arbitrary>], iteration_bounds = array<i64: 5>, scalar_prefetch = 0 : i64, scratch_operands = 0 : i64, tpu.core_type = #tpu.core_type<tc>, window_params = [{transform_indices = @transform_0, window_bounds = array<i64: 2000, 128>}, {transform_indices = @transform_1, window_bounds = array<i64: 2000, 128>}, {pipeline_mode = #tpu.pipeline_mode<synchronous>, transform_indices = @transform_2, window_bounds = array<i64: 1, 128>}, {pipeline_mode = #tpu.pipeline_mode<synchronous>, transform_indices = @transform_3, window_bounds = array<i64: 1, 128>}, {pipeline_mode = #tpu.pipeline_mode<synchronous>, transform_indices = @transform_4, window_bounds = array<i64: 1, 128>}, {pipeline_mode = #tpu.pipeline_mode<synchronous>, transform_indices = @transform_5, window_bounds = array<i64: 1, 128>}, {transform_indices = @transform_6, window_bounds = array<i64: 2000, 128>}]} {
    %get3A = arith.constant 0 : index
    %get3A_0 = arith.constant 0 : index
    %get3A_1 = vector.load %arg3[%get3A, %get3A_0] : memref<1x128xf32, #tpu.memory_space<vmem>>, vector<1x128xf32>
    %mul3A = arith.constant 9.99999974E-5 : f32
    %mul3A_2 = vector.broadcast %mul3A : f32 to vector<1x128xf32>
    %mul3A_3 = arith.mulf %get3A_1, %mul3A_2 : vector<1x128xf32>
    %get3A_4 = arith.constant 0 : index
    %get3A_5 = arith.constant 0 : index
    %get3A_6 = vector.load %arg4[%get3A_4, %get3A_5] : memref<1x128xf32, #tpu.memory_space<vmem>>, vector<1x128xf32>
    %mul3A_7 = arith.constant 9.99999974E-5 : f32
    %mul3A_8 = vector.broadcast %mul3A_7 : f32 to vector<1x128xf32>
    %mul3A_9 = arith.mulf %get3A_6, %mul3A_8 : vector<1x128xf32>
    %mul3A_10 = arith.mulf %mul3A_3, %mul3A_3 : vector<1x128xf32>
    %sub3A = arith.subf %mul3A_9, %mul3A_10 : vector<1x128xf32>
    %get3A_11 = arith.constant 0 : index
    %get3A_12 = arith.constant 0 : index
    %get3A_13 = vector.load %arg5[%get3A_11, %get3A_12] : memref<1x128xf32, #tpu.memory_space<vmem>>, vector<1x128xf32>
    %add3A = arith.constant 9.99999974E-6 : f32
    %add3A_14 = vector.broadcast %add3A : f32 to vector<1x128xf32>
    %add3A_15 = arith.addf %sub3A, %add3A_14 : vector<1x128xf32>
    %rsqrt3A = math.rsqrt %add3A_15 : vector<1x128xf32>
    %mul3A_16 = arith.mulf %get3A_13, %rsqrt3A : vector<1x128xf32>
    %get3A_17 = arith.constant 0 : index
    %get3A_18 = arith.constant 0 : index
    %get3A_19 = vector.load %arg6[%get3A_17, %get3A_18] : memref<1x128xf32, #tpu.memory_space<vmem>>, vector<1x128xf32>
    %mul3A_20 = arith.mulf %mul3A_3, %mul3A_16 : vector<1x128xf32>
    %sub3A_21 = arith.subf %get3A_19, %mul3A_20 : vector<1x128xf32>
    %get3A_22 = arith.constant 0 : index
    %get3A_23 = arith.constant 0 : index
    %get3A_24 = vector.load %arg2[%get3A_22, %get3A_23] : memref<2000x128xf32, #tpu.memory_space<vmem>>, vector<2000x128xf32>
    %get3A_25 = arith.constant 0 : index
    %get3A_26 = arith.constant 0 : index
    %get3A_27 = vector.load %arg1[%get3A_25, %get3A_26] : memref<2000x128xf32, #tpu.memory_space<vmem>>, vector<2000x128xf32>
    %mul3A_28 = vector.broadcast %mul3A_16 : vector<1x128xf32> to vector<2000x128xf32>
    %mul3A_29 = arith.mulf %get3A_27, %mul3A_28 : vector<2000x128xf32>
    %add3A_30 = arith.addf %get3A_24, %mul3A_29 : vector<2000x128xf32>
    %add3A_31 = vector.broadcast %sub3A_21 : vector<1x128xf32> to vector<2000x128xf32>
    %add3A_32 = arith.addf %add3A_30, %add3A_31 : vector<2000x128xf32>
    %custom_jvp_call3A = arith.constant 0.000000e+00 : f32
    %max3A = vector.broadcast %custom_jvp_call3A : f32 to vector<2000x128xf32>
    %max3A_33 = arith.maximumf %add3A_32, %max3A : vector<2000x128xf32>
    %sub3A_34 = vector.broadcast %custom_jvp_call3A : f32 to vector<2000x128xf32>
    %sub3A_35 = arith.subf %add3A_32, %sub3A_34 : vector<2000x128xf32>
    %ne3A = arith.cmpf one, %sub3A_35, %sub3A_35 : vector<2000x128xf32>
    %add3A_36 = vector.broadcast %custom_jvp_call3A : f32 to vector<2000x128xf32>
    %add3A_37 = arith.addf %add3A_32, %add3A_36 : vector<2000x128xf32>
    %abs3A = math.absf %sub3A_35 : vector<2000x128xf32>
    %neg3A = arith.constant 0.000000e+00 : f32
    %neg3A_38 = vector.broadcast %neg3A : f32 to vector<2000x128xf32>
    %neg3A_39 = arith.subf %neg3A_38, %abs3A : vector<2000x128xf32>
    %exp3A = math.exp %neg3A_39 : vector<2000x128xf32>
    %log1p3A = math.log1p %exp3A : vector<2000x128xf32>
    %add3A_40 = arith.addf %max3A_33, %log1p3A : vector<2000x128xf32>
    %select_n3A = arith.select %ne3A, %add3A_37, %add3A_40 : vector<2000x128xi1>, vector<2000x128xf32>
    %swap3A = arith.constant 0 : index
    %swap3A_41 = arith.constant 0 : index
    %swap3A_42 = vector.load %arg7[%swap3A, %swap3A_41] : memref<2000x128xf32, #tpu.memory_space<vmem>>, vector<2000x128xf32>
    tpu.vector_store %arg7[%swap3A, %swap3A_41], %select_n3A {strides = array<i32>} : memref<2000x128xf32, #tpu.memory_space<vmem>>, vector<2000x128xf32>,
    return
  }
  func.func @transform_0(%arg0: i32) -> (i32, i32) {
    %c0_i32 = arith.constant 0 : i32
    %c0_i32_0 = arith.constant 0 : i32
    return %arg0, %c0_i32 : i32, i32
  }
  func.func @transform_1(%arg0: i32) -> (i32, i32) {
    %c0_i32 = arith.constant 0 : i32
    %c0_i32_0 = arith.constant 0 : i32
    return %arg0, %c0_i32 : i32, i32
  }
  func.func @transform_2(%arg0: i32) -> (i32, i32) {
    %c0_i32 = arith.constant 0 : i32
    %c0_i32_0 = arith.constant 0 : i32
    %c0_i32_1 = arith.constant 0 : i32
    return %c0_i32, %c0_i32_0 : i32, i32
  }
  func.func @transform_3(%arg0: i32) -> (i32, i32) {
    %c0_i32 = arith.constant 0 : i32
    %c0_i32_0 = arith.constant 0 : i32
    %c0_i32_1 = arith.constant 0 : i32
    return %c0_i32, %c0_i32_0 : i32, i32
  }
  func.func @transform_4(%arg0: i32) -> (i32, i32) {
    %c0_i32 = arith.constant 0 : i32
    %c0_i32_0 = arith.constant 0 : i32
    %c0_i32_1 = arith.constant 0 : i32
    return %c0_i32, %c0_i32_0 : i32, i32
  }
  func.func @transform_5(%arg0: i32) -> (i32, i32) {
    %c0_i32 = arith.constant 0 : i32
    %c0_i32_0 = arith.constant 0 : i32
    %c0_i32_1 = arith.constant 0 : i32
    return %c0_i32, %c0_i32_0 : i32, i32
  }
  func.func @transform_6(%arg0: i32) -> (i32, i32) {
    %c0_i32 = arith.constant 0 : i32
    %c0_i32_0 = arith.constant 0 : i32
    return %arg0, %c0_i32 : i32, i32
  }
}

</mosaic_0001>

<sc_bundles>
// kernel: kernel.10.cloned.1.call-start
scs
__scs_entry_jumppad:
0x0: {  	(pc) =	sbr.rel $0x88, $3  }
0x1: {  	(tag) =	ssettag $0x0;
	lr =	simm.s32 $0x1  }
0x2: {  	[smem:$0x3F98] =	sst lr;
	_ =	strace $0xD0000000  }
0x3: {  	_ = 	snop  }
0x4: {  	_ = 	snop  }
0x5: {  	_ = 	snop  }
0x6: {  	_ = 	snop  }
0x7: {  	_ = 	snop  }
__scs_overlays_trampoline_lowered:
0x8: {  	[smem:$0x3FA7] =	sst s0  }
0x9: {  	[smem:$0x3FA8] =	sst s1  }
0xa: {  	[smem:$0x3FA9] =	sst s2  }
0xb: {  	[smem:$0x3FAA] =	sst s3  }
0xc: {  	[smem:$0x3FAB] =	sst s4  }
0xd: {  	[smem:$0x3FAC] =	sst s5  }
0xe: {  	[smem:$0x3FAD] =	sst s6  }
0xf: {  	[smem:$0x3FAE] =	sst s7  }
0x10: {  	[smem:$0x3FAF] =	sst s8  }
0x11: {  	[smem:$0x3FB0] =	sst s9;
	s0 =	simm.s32 @!p0 $0x0  }
0x12: {  	s1 =	sld [smem:$0x3F96];
	s0 =	simm.s32 @p0 $0x1  }
0x13: {  	[smem:$0x3FB1] =	sst s0;
	s0 =	simm.s32 @!p1 $0x0  }
0x14: {  	s2 =	sld [smem:$0x3F95];
	s0 =	simm.s32 @p1 $0x1  }
0x15: {  	[smem:$0x3FB2] =	sst s0;
	s0 =	simm.s32 @!p2 $0x0  }
0x16: {  	s3 =	sld [smem:$0x3FDB];
	s0 =	simm.s32 @p2 $0x1  }
0x17: {  	s4 =	simm.s32 $0x1BF5;
	[smem:$0x3FB4] =	sst s0  }
0x18: {  	s0 =	sld [smem:$0x3F97];
	_ =	swait.ge [sflag:s4], $0x0  }
0x19: {  	s7 =	sld [smem:$0x3F98]  }
0x1a: {  	s8 =	sadd.s32 $0xFFFFE003, lr  }
0x1b: {  	s9 =	sadd.s32 $0xFFFFFEF7, lr;
	s5 =	simm.s32 $0xFFFFFFFF;
	p2 =	slt.u32 s8, $0xFFFFF086  }
0x1c: {  	p1 =	slt.u32 s9, $0xF7A;
	s5 =	simm.s32 @!p2 $0x0  }
0x1d: {  	s5 =	simm.s32 @p1 $0x1;
	p0 =	seq.s32 s7, s2  }
0x1e: {  	s7 =	smul.u32 @!p0 $0xF7A, s2;
	p2 =	seq.s32 @!p0 s5, $0x0  }
0x1f: {  	s9 =	smul.u32 $0xF7A, s1;
	s8 =	simm.s32 @!p0 $0x1BF5;
	p2 =	por !p2, p0  }
0x20: {  	[sflag:s8] =	ssyncset.s32 @!p0 $0xFFFFF086;
	s6 =	sadd.s32 @!p0 s3, s7;
	s7 =	simm.s32 @!p0 $0x108  }
0x21: {  	s3 =	sadd.s32 s3, s9;
	s6 =	sadd.s32 @!p0 $0x88, s6;
	s7 =	simm.s32 @p2 $0x1082  }
0x22: {  	[simem:s7], [sflag:s8] =	dma.local @!p0 [hbm:s6], $0xF7A  }
0x23: {  	s9 =	sor.u32 $0xD0000000, s2;
	s6 =	simm.s32 $0x108;
	_ =	swait.ge @!p0 [sflag:s8], $0x0  }
0x24: {  	s3 =	sadd.s32 $0x88, s3;
	s6 =	simm.s32 @!p1 $0x1082;
	[sflag:s4] =	ssyncset.s32 $0xFFFFF086  }
0x25: {  	[simem:s6], [sflag:s4] =	dma.local [hbm:s3], $0xF7A  }
0x26: {  	[smem:$0x3F98] =	sst s1;
	(tag) =	ssettag s2;
	_ =	strace s9  }
0x27: {  	s1 =	sld [smem:$0x3FA8]  }
0x28: {  	s2 =	sld [smem:$0x3FA9]  }
0x29: {  	s4 =	sld [smem:$0x3FAB]  }
0x2a: {  	p0 =	seq.s32 s5, $0x0;
	s5 =	sld [smem:$0x3FAC]  }
0x2b: {  	s6 =	sld [smem:$0x3FAD]  }
0x2c: {  	s7 =	sld [smem:$0x3FAE]  }
0x2d: {  	s3 =	simm.s32 $0x108;
	s8 =	sld [smem:$0x3FAF]  }
0x2e: {  	s3 =	simm.s32 @!p0 $0x1082;
	s9 =	sld [smem:$0x3FB0]  }
0x2f: {  	lr =	sadd.s32 s0, s3;
	s0 =	sld [smem:$0x3FA7]  }
0x30: {  	s3 =	sld [smem:$0x3FAA]  }
0x31: {  	[smem:$0x3FB3] =	sst s10  }
0x32: {  	s10 =	sld [smem:$0x3FB1];
	_ =	sdelay $0x3  }
0x33: {  	p0 =	seq.s32 s10, $0x1;
	s10 =	sld [smem:$0x3FB3];
	_ =	sdelay $0x3  }
0x34: {  	[smem:$0x3FB3] =	sst s10  }
0x35: {  	s10 =	sld [smem:$0x3FB2];
	_ =	sdelay $0x3  }
0x36: {  	p1 =	seq.s32 s10, $0x1;
	s10 =	sld [smem:$0x3FB3];
	_ =	sdelay $0x3  }
0x37: {  	[smem:$0x3FB3] =	sst s10  }
0x38: {  	s10 =	sld [smem:$0x3FB4]  }
0x39: {  	_ = 	snop;
	(pc) =	sbr.ind lr, $3  }
0x3a: {  	_ = 	snop  }
0x3b: {  	_ = 	snop  }
0x3c: {  	p2 =	seq.s32 s10, $0x1;
	s10 =	sld [smem:$0x3FB3]  }
0x3d: {  	_ =	shalt  }
0x3e: {  	_ =	shalt  }
0x3f: {  	_ =	shalt  }
0x40: {  	_ =	shalt  }
0x41: {  	_ =	shalt  }
0x42: {  	_ =	shalt  }
0x43: {  	_ =	shalt  }
0x44: {  	_ =	shalt  }
0x45: {  	_ =	shalt  }
0x46: {  	_ =	shalt  }
0x47: {  	_ =	shalt  }
0x48: {  	_ =	shalt  }
0x49: {  	_ =	shalt  }
0x4a: {  	_ =	shalt  }
0x4b: {  	_ =	shalt  }
0x4c: {  	_ =	shalt  }
0x4d: {  	_ =	shalt  }
0x4e: {  	_ =	shalt  }
0x4f: {  	_ =	shalt  }
0x50: {  	_ =	shalt  }
0x51: {  	_ =	shalt  }
0x52: {  	_ =	shalt  }
0x53: {  	_ =	shalt  }
0x54: {  	_ =	shalt  }
0x55: {  	_ =	shalt  }
0x56: {  	_ =	shalt  }
0x57: {  	_ =	shalt  }
0x58: {  	_ =	shalt  }
0x59: {  	_ =	shalt  }
0x5a: {  	_ =	shalt  }
0x5b: {  	_ =	shalt  }
0x5c: {  	_ =	shalt  }
0x5d: {  	_ =	shalt  }
0x5e: {  	_ =	shalt  }
0x5f: {  	_ =	shalt  }
0x60: {  	_ =	shalt  }
0x61: {  	_ =	shalt  }
0x62: {  	_ =	shalt  }
0x63: {  	_ =	shalt  }
0x64: {  	_ =	shalt  }
0x65: {  	_ =	shalt  }
0x66: {  	_ =	shalt  }
0x67: {  	_ =	shalt  }
0x68: {  	_ =	shalt  }
0x69: {  	_ =	shalt  }
0x6a: {  	_ =	shalt  }
0x6b: {  	_ =	shalt  }
0x6c: {  	_ =	shalt  }
0x6d: {  	_ =	shalt  }
0x6e: {  	_ =	shalt  }
0x6f: {  	_ =	shalt  }
0x70: {  	_ =	shalt  }
0x71: {  	_ =	shalt  }
0x72: {  	_ =	shalt  }
0x73: {  	_ =	shalt  }
0x74: {  	_ =	shalt  }
0x75: {  	_ =	shalt  }
0x76: {  	_ =	shalt  }
0x77: {  	_ =	shalt  }
0x78: {  	_ =	shalt  }
0x79: {  	_ =	shalt  }
0x7a: {  	_ =	shalt  }
0x7b: {  	_ =	shalt  }
0x7c: {  	_ =	shalt  }
0x7d: {  	_ =	shalt  }
0x7e: {  	_ =	shalt  }
0x7f: {  	_ =	shalt  }
0x80: {  	_ =	shalt  }
0x81: {  	_ =	shalt  }
0x82: {  	_ =	shalt  }
0x83: {  	_ =	shalt  }
0x84: {  	_ =	shalt  }
0x85: {  	_ =	shalt  }
0x86: {  	_ =	shalt  }
0x87: {  	_ =	shalt  }
.Lfunc_end0:
.L_simem_size_0:
called_computation_lowered:
.L_overlay_start_0:
0x88: {  	s2 =	sld [smem:$0x3FD9]  }
0x89: {  	s3 =	sld [smem:$0x3FFE];
	_ =	sdelay $0x1  }
0x8a: {  	s1 =	srdreg.scid  }
0x8b: {  	s0 =	sand.u32 $0x1, s1  }
0x8c: {  	s17 =	sshll.u32 s0, $0xA;
	s2 =	sadd.s32 s3, s2  }
0x8d: {  	s2 =	sadd.s32 s2, s17  }
0x8e: {  	[smem:$0x3FBF] =	sst s2  }
0x8f: {  	_ = 	snop  }
0x90: {  	s18 =	sld [smem:$0x3FD0];
	(tm) =	ssettm $0x1  }
0x91: {  	s19 =	sld [smem:$0x3FFB];
	_ =	sdelay $0x3  }
0x92: {  	_ =	strace s19  }
0x93: {  	s2 =	sld [smem:$0x3FFC];
	_ =	sdelay $0x3  }
0x94: {  	_ =	strace s2  }
0x95: {  	s2 =	sld [smem:$0x3FFD];
	_ =	sdelay $0x3  }
0x96: {  	_ =	strace s2  }
0x97: {  	_ =	strace $0x8FFFFFFF  }
0x98: {  	s20 =	sld [smem:$0x3FDB];
	_ =	sdelay $0x1  }
0x99: {  	s4 =	simm.s32 $_scs_section_size  }
0x9a: {  	s5 =	simm.s32 $_size__tile_overlayer_lowered;
	s6 =	simm.s32 $_tile_overlayer_lowered  }
0x9b: {  	s7 =	simm.s32 $0x1BFF;
	s21 =	sshll.u32 s6, $0x1;
	s4 =	sadd.s32 s4, s20  }
0x9c: {  	s22 =	simm.s32 $0x0;
	s5 =	sshll.u32 s5, $0x1;
	s6 =	sadd.s32 s21, s4  }
0x9d: {  	[timem:s22], [sflag:s7] =	dma.local [hbm:s6], s5  }
0x9e: {  	_ =	swait.ge [sflag:s7], s5  }
0x9f: {  	s5 =	ssub.s32 $0x0, s5;
	[sflag:s7] =	ssyncset.done $0x0  }
0xa0: {  	[sflag:s7] =	ssyncadd.s32 s5;
	_ =	sdelay $0x1  }
0xa1: {  	s23 =	simm.s32 $0x1B8B  }
0xa2: {  	_ =	swait.ge [sflag:s23], $0x1  }
0xa3: {  	[sflag:s23] =	ssyncset.done $0x0  }
0xa4: {  	[sflag:s23] =	ssyncadd.s32 $0xFFFFFFFF  }
0xa5: {  	s5 =	sld [smem:$0x0]  }
0xa6: {  	s6 =	sand.u32 $0xFFFFFFFE, s1  }
0xa7: {  	p0 =	sne.s32 s1, s6  }
0xa8: {  	s6 =	sshll.u32 @p0 s6, $0xE  }
0xa9: {  	s6 =	sadd.s32 @p0 $0x11B8D, s6;
	s7 =	sshll.u32 @p0 s5, $0x11  }
0xaa: {  	s6 =	sor.u32 @p0 s7, s6  }
0xab: {  	[sflag:s6] =	ssyncadd.remote.s32 @p0 $0x1;
	_ =	sdelay $0x1  }
0xac: {  	s6 =	simm.s32 @p0 $0x1B8D  }
0xad: {  	_ =	swait.eq @p0 [sflag:s6], $0x1  }
0xae: {  	[sflag:s6] =	ssyncadd.s32 @p0 $0xFFFFFFFF  }
0xaf: {  	s7 =	sshll.u32 @!p0 s1, $0xE  }
0xb0: {  	s7 =	sor.u32 @!p0 $0x4000, s7;
	s6 =	simm.s32 @!p0 $0x1B8D  }
0xb1: {  	s5 =	sshll.u32 @!p0 s5, $0x11;
	s7 =	sadd.s32 @!p0 $0x11B8D, s7;
	_ =	swait.eq @!p0 [sflag:s6], $0x1  }
0xb2: {  	s5 =	sor.u32 @!p0 s5, s7;
	[sflag:s6] =	ssyncadd.s32 @!p0 $0xFFFFFFFF  }
0xb3: {  	s25 =	simm.s32 $0x1B8E;
	s24 =	sld [smem:$0x3FFE];
	[sflag:s5] =	ssyncadd.remote.s32 @!p0 $0x1  }
0xb4: {  	s26 =	simm.s32 $execute0_lowered;
	[smem:$0x3FD2] =	sst s25  }
0xb5: {  	s6 =	sshll.u32 s26, $0x1;
	_ =	strace $0x80000049;
	[dreg:$0x1] =	wrdreg $0xFFFFFFFF  }
0xb6: {  	s28 =	simm.s32 $_size_execute0_lowered;
	s4 =	sadd.s32 s4, s6;
	[dreg:$0x0] =	wrdreg $0x0  }
0xb7: {  	s6 =	sshll.u32 s28, $0x1;
	[dreg:$0x2] =	wrdreg s4  }
0xb8: {  	[dreg:$0x3] =	wrdreg s6  }
0xb9: {  	[dreg:$0x4] =	wrdreg $0xC0  }
0xba: {  	_ =	task [dreg:s22], $0x5FFFF  }
0xbb: {  	[dreg:$0x1] =	wrdreg $0xFFFFFFFF  }
0xbc: {  	[dreg:$0x0] =	wrdreg $0x60  }
0xbd: {  	[dreg:$0x2] =	wrdreg s24  }
0xbe: {  	[dreg:$0x3] =	wrdreg s18  }
0xbf: {  	[dreg:$0x4] =	wrdreg $0x9  }
0xc0: {  	_ =	task.clear_ibuf [dreg:s22], $0x5FFFF;
	_ =	strace $0x90000049  }
0xc1: {  	s29 =	simm.s32 $0x9;
	_ =	strace $0x8000004B  }
0xc2: {  	_ =	swait.ge [sflag:s29], $0x1  }
0xc3: {  	[sflag:s29] =	ssyncadd.s32 $0xFFFFFFFF  }
0xc4: {  	_ =	strace $0x9000004B  }
0xc5: {  	_ =	sfence  }
0xc6: {  	s30 =	sld [smem:$0x0];
	_ =	sdelay $0x2  }
0xc7: {  	s31 =	sshll.u32 s1, $0xD;
	s1 =	sshrl.u32 s1, $0x2  }
0xc8: {  	s4 =	sand.u32 $0x4000, s31;
	s1 =	sadd.s32 s1, s30  }
0xc9: {  	s0 =	sor.u32 s4, s0;
	s1 =	sshll.u32 s1, $0x11  }
0xca: {  	s0 =	sor.u32 s1, s0  }
0xcb: {  	s0 =	sadd.s32 $0x8F2B, s0  }
0xcc: {  	[sflag:s0] =	ssyncadd.remote.s32 $0x1  }
0xcd: {  	_ =	sfence.sel $0xFFFF  }
0xce: {  	[dreg:$0x0] =	wrdreg $0xFFFFFFFF;
	(pc) =	sbr.abs _section_cstart, $3  }
0xcf: {  	[dreg:$0x1] =	wrdreg $0xFFFFFFFF  }
0xd0: {  	_ =	task.clear_ibuf [dreg:s22], $0x2FFFF;
	_ =	strace $0x9FFFFFFF  }
0xd1: {  	(tm) =	ssettm $0x7FFFFFFF  }
tec
execute0_lowered:
.L_overlay_start_1:
0x0: {  	(tag) =	ssettag $0x1  }
0x1: {  	s1 =	srdreg.scid;
	s4 =	rddreg [dreg:$0x0]  }
0x2: {  	s0 =	stileid.u32;
	s2 =	rddreg [dreg:$0x1];
	s3 =	simm.s32 $0x0  }
0x3: {  	s12 =	simm.s32 $0x1;
	s13 =	simm.s32 $0x2;
	s14 =	simm.s32 $0x0  }
0x4: {  	s5 =	sand.u32 $0x1, s1;
	s29 =	sshll.u32 s0, $0x1;
	s10 =	smul.u32 $0x27100, s0  }
0x5: {  	s1 =	rddreg [dreg:$0x2];
	s6 =	sor.u32 s5, s29;
	s11 =	smul.u32 $0x13880, s5  }
0x6: {  	[smem:$0x7FF] =	sst s3;
	s8 =	sadd.s32 $0x2CCE00, s4;
	s7 =	smul.u32 $0x1388, s6  }
0x7: {  	_ =	strace $0x8000004A;
	s30 =	ssub.s32 $0x2, s5;
	s6 =	smul.u32 $0x9C400, s6  }
0x8: {  	s9 =	sshrl.u32 s30, $0x1;
	s31 =	sadd.s32 s10, s8;
	s10 =	simm.s32 $0x1400  }
0x9: {  	s9 =	ssub.s32 s30, s9;
	s7 =	sshrl.u32 s7, $0x3;
	s6 =	sshrl.u32 s6, $0x3  }
0xa: {  	s7 =	sadd.s32 s7, s4;
	s6 =	sadd.s32 s8, s6;
	s8 =	simm.s32 $0x3  }
0xb: {  	s4 =	sadd.s32 $0x2C7E00, s7;
	s5 =	sadd.s32 $0x12C00, s6;
	s6 =	smax.u32 s9, $0x1  }
0xc: {  	s7 =	sadd.s32 s11, s31;
	s9 =	simm.s32 $0xC8;
	s11 =	simm.s32 $0x7800  }
.LBB2_1:
0xd: {  	[tilespmem:s3], [sflag:$0x3] =	stream.linear.gather [hbm4b:s4+s3], $0x1388, $0x38;
	[tilespmem:$0xDC00] =	vst v63  }
0xe: {  	_ =	swait.ge [sflag:s8], $0x1388  }
0xf: {  	[sflag:s8] =	ssyncset.done $0x0  }
0x10: {  	[sflag:s8] =	ssyncadd.s32 $0xFFFFEC78  }
0x11: {  	[tilespmem:s10], [sflag:$0x1] =	stream.indirect.gather [hbm4b:s2+s9], $0x80, s3, s9, $0xb8;
	[tilespmem:$0xDC00] =	vst v63  }
0x12: {  	s15 =	simm.s32 $0xC8  }
0x13: {  	[tilespmem:s11], [sflag:$0x2] =	stream.indirect.gather [hbm4b:s2+s9], $0x80, s15, s9, $0xb8;
	[tilespmem:$0xDC00] =	vst v63  }
0x14: {  	_ =	swait.ge [sflag:s12], $0x6400  }
0x15: {  	[sflag:s12] =	ssyncset.done $0x0  }
0x16: {  	s31 =	sadd.s32 $0x0, s7;
	[sflag:s12] =	ssyncadd.s32 $0xFFFF9C00  }
0x17: {  	[hbm4b:s31+s3] =	stream.linear.scatter [tilespmem:s10], [sflag:$0x3], $0x6400, $0x38;
	[tilespmem:$0xDC00] =	vst v63  }
0x18: {  	_ =	swait.ge [sflag:s8], $0x6400  }
0x19: {  	[sflag:s8] =	ssyncset.done $0x0  }
0x1a: {  	s16 =	simm.s32 $0x190;
	[sflag:s8] =	ssyncadd.s32 $0xFFFF9C00  }
0x1b: {  	[tilespmem:s10], [sflag:$0x1] =	stream.indirect.gather [hbm4b:s2+s9], $0x80, s16, s9, $0xb8;
	[tilespmem:$0xDC00] =	vst v63  }
0x1c: {  	_ =	swait.ge [sflag:s13], $0x6400  }
0x1d: {  	[sflag:s13] =	ssyncset.done $0x0  }
0x1e: {  	s15 =	sadd.s32 $0xC80, s31;
	[sflag:s13] =	ssyncadd.s32 $0xFFFF9C00  }
0x1f: {  	[hbm4b:s15+s3] =	stream.linear.scatter [tilespmem:s11], [sflag:$0x3], $0x6400, $0x38;
	[tilespmem:$0xDC00] =	vst v63  }
0x20: {  	s17 =	simm.s32 $0x3200;
	_ =	swait.ge [sflag:s8], $0x6400  }
0x21: {  	s16 =	simm.s32 $0x1900;
	s15 =	simm.s32 $0x320;
	[sflag:s8] =	ssyncset.done $0x0  }
.LBB2_2:
0x22: {  	p0 =	sne.s32 s17, $0x11300;
	s18 =	sadd.s32 $0xFFFFFF38, s15;
	[sflag:s8] =	ssyncadd.s32 $0xFFFF9C00  }
0x23: {  	[tilespmem:s11], [sflag:$0x2] =	stream.indirect.gather [hbm4b:s2+s9], $0x80, s18, s9, $0xb8;
	[tilespmem:$0xDC00] =	vst v63  }
0x24: {  	s18 =	smov.u32 s17;
	s17 =	sadd.s32 $0x1900, s17;
	_ =	swait.ge [sflag:s12], $0x6400  }
0x25: {  	[sflag:s12] =	ssyncset.done $0x0  }
0x26: {  	s19 =	sadd.s32 s16, s7;
	s16 =	smov.u32 s18;
	[sflag:s12] =	ssyncadd.s32 $0xFFFF9C00  }
0x27: {  	[hbm4b:s19+s3] =	stream.linear.scatter [tilespmem:s10], [sflag:$0x3], $0x6400, $0x38;
	[tilespmem:$0xDC00] =	vst v63  }
0x28: {  	_ =	swait.ge [sflag:s8], $0x6400  }
0x29: {  	[sflag:s8] =	ssyncset.done $0x0  }
0x2a: {  	[sflag:s8] =	ssyncadd.s32 $0xFFFF9C00  }
0x2b: {  	[tilespmem:s10], [sflag:$0x1] =	stream.indirect.gather [hbm4b:s2+s9], $0x80, s15, s9, $0xb8;
	[tilespmem:$0xDC00] =	vst v63  }
0x2c: {  	_ =	swait.ge [sflag:s13], $0x6400  }
.Ltmp0:
0x2d: {  	[sflag:s13] =	ssyncset.done $0x0;
	(pc) =	sbr.rel @p0 .LBB2_2-.Ltmp0, $4  }
0x2e: {  	s18 =	sadd.s32 $0xC80, s19;
	[sflag:s13] =	ssyncadd.s32 $0xFFFF9C00  }
0x2f: {  	[hbm4b:s18+s3] =	stream.linear.scatter [tilespmem:s11], [sflag:$0x3], $0x6400, $0x38;
	[tilespmem:$0xDC00] =	vst v63  }
0x30: {  	_ =	swait.ge [sflag:s8], $0x6400  }
0x31: {  	s15 =	sadd.s32 $0x190, s15;
	[sflag:s8] =	ssyncset.done $0x0  }
0x32: {  	s17 =	sadd.s32 $0xFFFFFF38, s15;
	[sflag:s8] =	ssyncadd.s32 $0xFFFF9C00  }
0x33: {  	[tilespmem:s11], [sflag:$0x2] =	stream.indirect.gather [hbm4b:s2+s9], $0x80, s17, s9, $0xb8;
	[tilespmem:$0xDC00] =	vst v63  }
0x34: {  	_ =	swait.ge [sflag:s12], $0x6400  }
0x35: {  	[sflag:s12] =	ssyncset.done $0x0  }
0x36: {  	s16 =	sadd.s32 s16, s7;
	[sflag:s12] =	ssyncadd.s32 $0xFFFF9C00  }
0x37: {  	[hbm4b:s16+s3] =	stream.linear.scatter [tilespmem:s10], [sflag:$0x3], $0x6400, $0x38;
	[tilespmem:$0xDC00] =	vst v63  }
0x38: {  	_ =	swait.ge [sflag:s8], $0x6400  }
0x39: {  	[sflag:s8] =	ssyncset.done $0x0  }
0x3a: {  	[sflag:s8] =	ssyncadd.s32 $0xFFFF9C00  }
0x3b: {  	[tilespmem:s10], [sflag:$0x1] =	stream.indirect.gather [hbm4b:s2+s9], $0x80, s15, s9, $0xb8;
	[tilespmem:$0xDC00] =	vst v63  }
0x3c: {  	_ =	swait.ge [sflag:s13], $0x6400  }
0x3d: {  	[sflag:s13] =	ssyncset.done $0x0  }
0x3e: {  	s31 =	sadd.s32 $0xC80, s16;
	[sflag:s13] =	ssyncadd.s32 $0xFFFF9C00  }
0x3f: {  	[hbm4b:s31+s3] =	stream.linear.scatter [tilespmem:s11], [sflag:$0x3], $0x6400, $0x38;
	[tilespmem:$0xDC00] =	vst v63  }
0x40: {  	_ =	swait.ge [sflag:s8], $0x6400  }
0x41: {  	[sflag:s8] =	ssyncset.done $0x0  }
0x42: {  	[sflag:s8] =	ssyncadd.s32 $0xFFFF9C00  }
0x43: {  	s14 =	sadd.s32 $0x1, s14;
	_ =	swait.ge [sflag:s12], $0x6400  }
0x44: {  	p0 =	sne.s32 s14, s6;
	[sflag:s12] =	ssyncset.done $0x0  }
.Ltmp1:
0x45: {  	[sflag:s12] =	ssyncadd.s32 $0xFFFF9C00;
	(pc) =	sbr.rel @p0 .LBB2_1-.Ltmp1, $4  }
0x46: {  	[hbm4b:s5+s3] =	stream.linear.scatter [tilespmem:s10], [sflag:$0x3], $0x6400, $0x38;
	[tilespmem:$0xDC00] =	vst v63  }
0x47: {  	_ =	swait.ge [sflag:s8], $0x6400  }
0x48: {  	[sflag:s8] =	ssyncset.done $0x0  }
0x49: {  	[sflag:s8] =	ssyncadd.s32 $0xFFFF9C00  }
0x4a: {  	_ =	sfence.sel $0x180000  }
0x4b: {  	[bflag:$0x0] =	sbarrier.arrive $0xFFFF  }
0x4c: {  	p0 =	sne.s32 s0, $0x0;
	_ =	strace $0x9000004A  }
0x4d: {  	s0 =	sadd.s32 @!p0 $0x100000, s1;
	[bflag:$0x2] =	sbarrier.arrive $0xFFFF  }
0x4e: {  	[sflag:s0] =	ssyncadd.tile.s32 @!p0 $0x1;
	_ =	shalt  }
.Lfunc_end2:
_tile_overlayer_lowered:
.L_overlay_start_2:
0x4f: {  	(tag) =	ssettag $0x2  }
0x50: {  	s0 =	rddreg [dreg:$0x0];
	s2 =	stileid.u32  }
0x51: {  	s1 =	rddreg [dreg:$0x1];
	p0 =	sne.s32 s2, $0x0  }
0x52: {  	s3 =	rddreg [dreg:$0x2];
	[bflag:$0x3] =	sbarrier.arrive $0xFFFF;
	s2 =	simm.s32 @!p0 $0x1C03  }
0x53: {  	[timem:s3], [sflag:s2] =	dma.local @!p0 [hbm:s0], s1  }
0x54: {  	s0 =	simm.s32 @!p0 $0x3  }
0x55: {  	_ =	swait.ge @!p0 [sflag:s0], s1  }
0x56: {  	s1 =	ssub.s32 @!p0 $0x0, s1;
	[sflag:s0] =	ssyncset.done @!p0 $0x0  }
0x57: {  	[sflag:s0] =	ssyncadd.s32 @!p0 s1  }
0x58: {  	[bflag:$0x3] =	sbarrier.arrive $0xFFFF  }
0x59: {  	_ =	shalt  }

// kernel: kernel.13.cloned.1.call-start
scs
__scs_entry_jumppad:
0x0: {  	(pc) =	sbr.rel $0x88, $3  }
0x1: {  	(tag) =	ssettag $0x0;
	lr =	simm.s32 $0x1  }
0x2: {  	[smem:$0x3F98] =	sst lr;
	_ =	strace $0xD0000000  }
0x3: {  	_ = 	snop  }
0x4: {  	_ = 	snop  }
0x5: {  	_ = 	snop  }
0x6: {  	_ = 	snop  }
0x7: {  	_ = 	snop  }
__scs_overlays_trampoline_lowered:
0x8: {  	[smem:$0x3FA7] =	sst s0  }
0x9: {  	[smem:$0x3FA8] =	sst s1  }
0xa: {  	[smem:$0x3FA9] =	sst s2  }
0xb: {  	[smem:$0x3FAA] =	sst s3  }
0xc: {  	[smem:$0x3FAB] =	sst s4  }
0xd: {  	[smem:$0x3FAC] =	sst s5  }
0xe: {  	[smem:$0x3FAD] =	sst s6  }
0xf: {  	[smem:$0x3FAE] =	sst s7  }
0x10: {  	[smem:$0x3FAF] =	sst s8  }
0x11: {  	[smem:$0x3FB0] =	sst s9;
	s0 =	simm.s32 @!p0 $0x0  }
0x12: {  	s1 =	sld [smem:$0x3F96];
	s0 =	simm.s32 @p0 $0x1  }
0x13: {  	[smem:$0x3FB1] =	sst s0;
	s0 =	simm.s32 @!p1 $0x0  }
0x14: {  	s2 =	sld [smem:$0x3F95];
	s0 =	simm.s32 @p1 $0x1  }
0x15: {  	[smem:$0x3FB2] =	sst s0;
	s0 =	simm.s32 @!p2 $0x0  }
0x16: {  	s3 =	sld [smem:$0x3FDB];
	s0 =	simm.s32 @p2 $0x1  }
0x17: {  	s4 =	simm.s32 $0x1BF5;
	[smem:$0x3FB4] =	sst s0  }
0x18: {  	s0 =	sld [smem:$0x3F97];
	_ =	swait.ge [sflag:s4], $0x0  }
0x19: {  	s7 =	sld [smem:$0x3F98]  }
0x1a: {  	s8 =	sadd.s32 $0xFFFFE003, lr  }
0x1b: {  	s9 =	sadd.s32 $0xFFFFFEF7, lr;
	s5 =	simm.s32 $0xFFFFFFFF;
	p2 =	slt.u32 s8, $0xFFFFF086  }
0x1c: {  	p1 =	slt.u32 s9, $0xF7A;
	s5 =	simm.s32 @!p2 $0x0  }
0x1d: {  	s5 =	simm.s32 @p1 $0x1;
	p0 =	seq.s32 s7, s2  }
0x1e: {  	s7 =	smul.u32 @!p0 $0xF7A, s2;
	p2 =	seq.s32 @!p0 s5, $0x0  }
0x1f: {  	s9 =	smul.u32 $0xF7A, s1;
	s8 =	simm.s32 @!p0 $0x1BF5;
	p2 =	por !p2, p0  }
0x20: {  	[sflag:s8] =	ssyncset.s32 @!p0 $0xFFFFF086;
	s6 =	sadd.s32 @!p0 s3, s7;
	s7 =	simm.s32 @!p0 $0x108  }
0x21: {  	s3 =	sadd.s32 s3, s9;
	s6 =	sadd.s32 @!p0 $0x88, s6;
	s7 =	simm.s32 @p2 $0x1082  }
0x22: {  	[simem:s7], [sflag:s8] =	dma.local @!p0 [hbm:s6], $0xF7A  }
0x23: {  	s9 =	sor.u32 $0xD0000000, s2;
	s6 =	simm.s32 $0x108;
	_ =	swait.ge @!p0 [sflag:s8], $0x0  }
0x24: {  	s3 =	sadd.s32 $0x88, s3;
	s6 =	simm.s32 @!p1 $0x1082;
	[sflag:s4] =	ssyncset.s32 $0xFFFFF086  }
0x25: {  	[simem:s6], [sflag:s4] =	dma.local [hbm:s3], $0xF7A  }
0x26: {  	[smem:$0x3F98] =	sst s1;
	(tag) =	ssettag s2;
	_ =	strace s9  }
0x27: {  	s1 =	sld [smem:$0x3FA8]  }
0x28: {  	s2 =	sld [smem:$0x3FA9]  }
0x29: {  	s4 =	sld [smem:$0x3FAB]  }
0x2a: {  	p0 =	seq.s32 s5, $0x0;
	s5 =	sld [smem:$0x3FAC]  }
0x2b: {  	s6 =	sld [smem:$0x3FAD]  }
0x2c: {  	s7 =	sld [smem:$0x3FAE]  }
0x2d: {  	s3 =	simm.s32 $0x108;
	s8 =	sld [smem:$0x3FAF]  }
0x2e: {  	s3 =	simm.s32 @!p0 $0x1082;
	s9 =	sld [smem:$0x3FB0]  }
0x2f: {  	lr =	sadd.s32 s0, s3;
	s0 =	sld [smem:$0x3FA7]  }
0x30: {  	s3 =	sld [smem:$0x3FAA]  }
0x31: {  	[smem:$0x3FB3] =	sst s10  }
0x32: {  	s10 =	sld [smem:$0x3FB1];
	_ =	sdelay $0x3  }
0x33: {  	p0 =	seq.s32 s10, $0x1;
	s10 =	sld [smem:$0x3FB3];
	_ =	sdelay $0x3  }
0x34: {  	[smem:$0x3FB3] =	sst s10  }
0x35: {  	s10 =	sld [smem:$0x3FB2];
	_ =	sdelay $0x3  }
0x36: {  	p1 =	seq.s32 s10, $0x1;
	s10 =	sld [smem:$0x3FB3];
	_ =	sdelay $0x3  }
0x37: {  	[smem:$0x3FB3] =	sst s10  }
0x38: {  	s10 =	sld [smem:$0x3FB4]  }
0x39: {  	_ = 	snop;
	(pc) =	sbr.ind lr, $3  }
0x3a: {  	_ = 	snop  }
0x3b: {  	_ = 	snop  }
0x3c: {  	p2 =	seq.s32 s10, $0x1;
	s10 =	sld [smem:$0x3FB3]  }
0x3d: {  	_ =	shalt  }
0x3e: {  	_ =	shalt  }
0x3f: {  	_ =	shalt  }
0x40: {  	_ =	shalt  }
0x41: {  	_ =	shalt  }
0x42: {  	_ =	shalt  }
0x43: {  	_ =	shalt  }
0x44: {  	_ =	shalt  }
0x45: {  	_ =	shalt  }
0x46: {  	_ =	shalt  }
0x47: {  	_ =	shalt  }
0x48: {  	_ =	shalt  }
0x49: {  	_ =	shalt  }
0x4a: {  	_ =	shalt  }
0x4b: {  	_ =	shalt  }
0x4c: {  	_ =	shalt  }
0x4d: {  	_ =	shalt  }
0x4e: {  	_ =	shalt  }
0x4f: {  	_ =	shalt  }
0x50: {  	_ =	shalt  }
0x51: {  	_ =	shalt  }
0x52: {  	_ =	shalt  }
0x53: {  	_ =	shalt  }
0x54: {  	_ =	shalt  }
0x55: {  	_ =	shalt  }
0x56: {  	_ =	shalt  }
0x57: {  	_ =	shalt  }
0x58: {  	_ =	shalt  }
0x59: {  	_ =	shalt  }
0x5a: {  	_ =	shalt  }
0x5b: {  	_ =	shalt  }
0x5c: {  	_ =	shalt  }
0x5d: {  	_ =	shalt  }
0x5e: {  	_ =	shalt  }
0x5f: {  	_ =	shalt  }
0x60: {  	_ =	shalt  }
0x61: {  	_ =	shalt  }
0x62: {  	_ =	shalt  }
0x63: {  	_ =	shalt  }
0x64: {  	_ =	shalt  }
0x65: {  	_ =	shalt  }
0x66: {  	_ =	shalt  }
0x67: {  	_ =	shalt  }
0x68: {  	_ =	shalt  }
0x69: {  	_ =	shalt  }
0x6a: {  	_ =	shalt  }
0x6b: {  	_ =	shalt  }
0x6c: {  	_ =	shalt  }
0x6d: {  	_ =	shalt  }
0x6e: {  	_ =	shalt  }
0x6f: {  	_ =	shalt  }
0x70: {  	_ =	shalt  }
0x71: {  	_ =	shalt  }
0x72: {  	_ =	shalt  }
0x73: {  	_ =	shalt  }
0x74: {  	_ =	shalt  }
0x75: {  	_ =	shalt  }
0x76: {  	_ =	shalt  }
0x77: {  	_ =	shalt  }
0x78: {  	_ =	shalt  }
0x79: {  	_ =	shalt  }
0x7a: {  	_ =	shalt  }
0x7b: {  	_ =	shalt  }
0x7c: {  	_ =	shalt  }
0x7d: {  	_ =	shalt  }
0x7e: {  	_ =	shalt  }
0x7f: {  	_ =	shalt  }
0x80: {  	_ =	shalt  }
0x81: {  	_ =	shalt  }
0x82: {  	_ =	shalt  }
0x83: {  	_ =	shalt  }
0x84: {  	_ =	shalt  }
0x85: {  	_ =	shalt  }
0x86: {  	_ =	shalt  }
0x87: {  	_ =	shalt  }
.Lfunc_end0:
.L_simem_size_0:
called_computation.1_lowered:
.L_overlay_start_0:
0x88: {  	s2 =	sld [smem:$0x3FD9]  }
0x89: {  	s3 =	sld [smem:$0x3FFE];
	_ =	sdelay $0x1  }
0x8a: {  	s1 =	srdreg.scid  }
0x8b: {  	s0 =	sand.u32 $0x1, s1  }
0x8c: {  	s17 =	sshll.u32 s0, $0xA;
	s2 =	sadd.s32 s3, s2  }
0x8d: {  	s2 =	sadd.s32 s2, s17  }
0x8e: {  	[smem:$0x3FBF] =	sst s2  }
0x8f: {  	_ = 	snop  }
0x90: {  	s2 =	sld [smem:$0x3FD0];
	(tm) =	ssettm $0x1  }
0x91: {  	s18 =	sld [smem:$0x3FFB];
	_ =	sdelay $0x3  }
0x92: {  	_ =	strace s18  }
0x93: {  	s3 =	sld [smem:$0x3FFC];
	_ =	sdelay $0x3  }
0x94: {  	_ =	strace s3  }
0x95: {  	s3 =	sld [smem:$0x3FFD];
	_ =	sdelay $0x3  }
0x96: {  	_ =	strace s3  }
0x97: {  	_ =	strace $0x8FFFFFFF  }
0x98: {  	s19 =	sld [smem:$0x3FDB];
	_ =	sdelay $0x1  }
0x99: {  	s4 =	simm.s32 $_scs_section_size  }
0x9a: {  	s5 =	simm.s32 $_size__tile_overlayer_lowered;
	s6 =	simm.s32 $_tile_overlayer_lowered  }
0x9b: {  	s22 =	simm.s32 $0x1BFF;
	s21 =	sshll.u32 s6, $0x1;
	s3 =	sadd.s32 s4, s19  }
0x9c: {  	s7 =	simm.s32 $0x0;
	s20 =	sshll.u32 s5, $0x1;
	s5 =	sadd.s32 s21, s3  }
0x9d: {  	[timem:s7], [sflag:s22] =	dma.local [hbm:s5], s20  }
0x9e: {  	_ =	swait.ge [sflag:s22], s20  }
0x9f: {  	s4 =	ssub.s32 $0x0, s20;
	[sflag:s22] =	ssyncset.done $0x0  }
0xa0: {  	[sflag:s22] =	ssyncadd.s32 s4;
	_ =	sdelay $0x1  }
0xa1: {  	s23 =	simm.s32 $0x1B8B  }
0xa2: {  	_ =	swait.ge [sflag:s23], $0x1  }
0xa3: {  	[sflag:s23] =	ssyncset.done $0x0  }
0xa4: {  	s25 =	simm.s32 $0x1B8E;
	s24 =	sld [smem:$0x3FFE];
	[sflag:s23] =	ssyncadd.s32 $0xFFFFFFFF  }
0xa5: {  	s26 =	simm.s32 $execute0_lowered;
	[smem:$0x3FD2] =	sst s25  }
0xa6: {  	s5 =	sshll.u32 s26, $0x1;
	_ =	strace $0x80000046;
	[dreg:$0x1] =	wrdreg $0xFFFFFFFF  }
0xa7: {  	s28 =	simm.s32 $_size_execute0_lowered;
	s3 =	sadd.s32 s3, s5;
	[dreg:$0x0] =	wrdreg $0x0  }
0xa8: {  	s5 =	sshll.u32 s28, $0x1;
	[dreg:$0x2] =	wrdreg s3  }
0xa9: {  	[dreg:$0x3] =	wrdreg s5  }
0xaa: {  	[dreg:$0x4] =	wrdreg $0xC0  }
0xab: {  	_ =	task [dreg:s7], $0x5FFFF  }
0xac: {  	[dreg:$0x1] =	wrdreg $0xFFFFFFFF  }
0xad: {  	[dreg:$0x0] =	wrdreg $0x60  }
0xae: {  	[dreg:$0x2] =	wrdreg s24  }
0xaf: {  	[dreg:$0x3] =	wrdreg s2  }
0xb0: {  	[dreg:$0x4] =	wrdreg $0xA  }
0xb1: {  	_ =	task.clear_ibuf [dreg:s7], $0x5FFFF;
	_ =	strace $0x90000046  }
0xb2: {  	s29 =	simm.s32 $0xA;
	_ =	strace $0x80000048  }
0xb3: {  	_ =	swait.ge [sflag:s29], $0x1  }
0xb4: {  	[sflag:s29] =	ssyncadd.s32 $0xFFFFFFFF  }
0xb5: {  	_ =	strace $0x90000048  }
0xb6: {  	_ =	sfence  }
0xb7: {  	s30 =	sld [smem:$0x0];
	_ =	sdelay $0x2  }
0xb8: {  	s31 =	sshll.u32 s1, $0xD;
	s1 =	sshrl.u32 s1, $0x2  }
0xb9: {  	s3 =	sand.u32 $0x4000, s31;
	s1 =	sadd.s32 s1, s30  }
0xba: {  	s0 =	sor.u32 s3, s0;
	s1 =	sshll.u32 s1, $0x11  }
0xbb: {  	s0 =	sor.u32 s1, s0  }
0xbc: {  	s0 =	sadd.s32 $0x8F2B, s0  }
0xbd: {  	[sflag:s0] =	ssyncadd.remote.s32 $0x1  }
0xbe: {  	_ =	sfence.sel $0xFFFF  }
0xbf: {  	[dreg:$0x0] =	wrdreg $0xFFFFFFFF;
	(pc) =	sbr.abs _section_cstart, $3  }
0xc0: {  	[dreg:$0x1] =	wrdreg $0xFFFFFFFF  }
0xc1: {  	_ =	task.clear_ibuf [dreg:s7], $0x2FFFF;
	_ =	strace $0x9FFFFFFF  }
0xc2: {  	(tm) =	ssettm $0x7FFFFFFF  }
0xc3: {  	_ =	shalt  }
tec
execute0_lowered:
.L_overlay_start_1:
0x0: {  	(tag) =	ssettag $0x1  }
0x1: {  	s1 =	srdreg.scid;
	s4 =	rddreg [dreg:$0x0]  }
0x2: {  	s0 =	stileid.u32;
	s2 =	rddreg [dreg:$0x1];
	s3 =	simm.s32 $0x0  }
0x3: {  	s12 =	simm.s32 $0x1;
	s13 =	simm.s32 $0x2;
	s14 =	simm.s32 $0x0  }
0x4: {  	s5 =	sand.u32 $0x1, s1;
	s29 =	sshll.u32 s0, $0x1;
	s10 =	smul.u32 $0x27100, s0  }
0x5: {  	s1 =	rddreg [dreg:$0x2];
	s6 =	sor.u32 s5, s29;
	s11 =	smul.u32 $0x13880, s5  }
0x6: {  	[smem:$0x7FF] =	sst s3;
	s8 =	sadd.s32 $0x56E00, s4;
	s7 =	smul.u32 $0x1388, s6  }
0x7: {  	_ =	strace $0x80000047;
	s30 =	ssub.s32 $0x2, s5;
	s6 =	smul.u32 $0x9C400, s6  }
0x8: {  	s9 =	sshrl.u32 s30, $0x1;
	s31 =	sadd.s32 s10, s8;
	s10 =	simm.s32 $0x1400  }
0x9: {  	s9 =	ssub.s32 s30, s9;
	s7 =	sshrl.u32 s7, $0x3;
	s6 =	sshrl.u32 s6, $0x3  }
0xa: {  	s7 =	sadd.s32 s7, s4;
	s6 =	sadd.s32 s8, s6;
	s8 =	simm.s32 $0x3  }
0xb: {  	s4 =	sadd.s32 $0x3C00, s7;
	s5 =	sadd.s32 $0x12C00, s6;
	s6 =	smax.u32 s9, $0x1  }
0xc: {  	s7 =	sadd.s32 s11, s31;
	s9 =	simm.s32 $0xC8;
	s11 =	simm.s32 $0x7800  }
.LBB2_1:
0xd: {  	[tilespmem:s3], [sflag:$0x3] =	stream.linear.gather [hbm4b:s4+s3], $0x1388, $0x38;
	[tilespmem:$0xDC00] =	vst v63  }
0xe: {  	_ =	swait.ge [sflag:s8], $0x1388  }
0xf: {  	[sflag:s8] =	ssyncset.done $0x0  }
0x10: {  	[sflag:s8] =	ssyncadd.s32 $0xFFFFEC78  }
0x11: {  	[tilespmem:s10], [sflag:$0x1] =	stream.indirect.gather [hbm4b:s2+s9], $0x80, s3, s9, $0xb8;
	[tilespmem:$0xDC00] =	vst v63  }
0x12: {  	s15 =	simm.s32 $0xC8  }
0x13: {  	[tilespmem:s11], [sflag:$0x2] =	stream.indirect.gather [hbm4b:s2+s9], $0x80, s15, s9, $0xb8;
	[tilespmem:$0xDC00] =	vst v63  }
0x14: {  	_ =	swait.ge [sflag:s12], $0x6400  }
0x15: {  	[sflag:s12] =	ssyncset.done $0x0  }
0x16: {  	s31 =	sadd.s32 $0x0, s7;
	[sflag:s12] =	ssyncadd.s32 $0xFFFF9C00  }
0x17: {  	[hbm4b:s31+s3] =	stream.linear.scatter [tilespmem:s10], [sflag:$0x3], $0x6400, $0x38;
	[tilespmem:$0xDC00] =	vst v63  }
0x18: {  	_ =	swait.ge [sflag:s8], $0x6400  }
0x19: {  	[sflag:s8] =	ssyncset.done $0x0  }
0x1a: {  	s16 =	simm.s32 $0x190;
	[sflag:s8] =	ssyncadd.s32 $0xFFFF9C00  }
0x1b: {  	[tilespmem:s10], [sflag:$0x1] =	stream.indirect.gather [hbm4b:s2+s9], $0x80, s16, s9, $0xb8;
	[tilespmem:$0xDC00] =	vst v63  }
0x1c: {  	_ =	swait.ge [sflag:s13], $0x6400  }
0x1d: {  	[sflag:s13] =	ssyncset.done $0x0  }
0x1e: {  	s15 =	sadd.s32 $0xC80, s31;
	[sflag:s13] =	ssyncadd.s32 $0xFFFF9C00  }
0x1f: {  	[hbm4b:s15+s3] =	stream.linear.scatter [tilespmem:s11], [sflag:$0x3], $0x6400, $0x38;
	[tilespmem:$0xDC00] =	vst v63  }
0x20: {  	s17 =	simm.s32 $0x3200;
	_ =	swait.ge [sflag:s8], $0x6400  }
0x21: {  	s16 =	simm.s32 $0x1900;
	s15 =	simm.s32 $0x320;
	[sflag:s8] =	ssyncset.done $0x0  }
.LBB2_2:
0x22: {  	p0 =	sne.s32 s17, $0x11300;
	s18 =	sadd.s32 $0xFFFFFF38, s15;
	[sflag:s8] =	ssyncadd.s32 $0xFFFF9C00  }
0x23: {  	[tilespmem:s11], [sflag:$0x2] =	stream.indirect.gather [hbm4b:s2+s9], $0x80, s18, s9, $0xb8;
	[tilespmem:$0xDC00] =	vst v63  }
0x24: {  	s18 =	smov.u32 s17;
	s17 =	sadd.s32 $0x1900, s17;
	_ =	swait.ge [sflag:s12], $0x6400  }
0x25: {  	[sflag:s12] =	ssyncset.done $0x0  }
0x26: {  	s19 =	sadd.s32 s16, s7;
	s16 =	smov.u32 s18;
	[sflag:s12] =	ssyncadd.s32 $0xFFFF9C00  }
0x27: {  	[hbm4b:s19+s3] =	stream.linear.scatter [tilespmem:s10], [sflag:$0x3], $0x6400, $0x38;
	[tilespmem:$0xDC00] =	vst v63  }
0x28: {  	_ =	swait.ge [sflag:s8], $0x6400  }
0x29: {  	[sflag:s8] =	ssyncset.done $0x0  }
0x2a: {  	[sflag:s8] =	ssyncadd.s32 $0xFFFF9C00  }
0x2b: {  	[tilespmem:s10], [sflag:$0x1] =	stream.indirect.gather [hbm4b:s2+s9], $0x80, s15, s9, $0xb8;
	[tilespmem:$0xDC00] =	vst v63  }
0x2c: {  	_ =	swait.ge [sflag:s13], $0x6400  }
.Ltmp0:
0x2d: {  	[sflag:s13] =	ssyncset.done $0x0;
	(pc) =	sbr.rel @p0 .LBB2_2-.Ltmp0, $4  }
0x2e: {  	s18 =	sadd.s32 $0xC80, s19;
	[sflag:s13] =	ssyncadd.s32 $0xFFFF9C00  }
0x2f: {  	[hbm4b:s18+s3] =	stream.linear.scatter [tilespmem:s11], [sflag:$0x3], $0x6400, $0x38;
	[tilespmem:$0xDC00] =	vst v63  }
0x30: {  	_ =	swait.ge [sflag:s8], $0x6400  }
0x31: {  	s15 =	sadd.s32 $0x190, s15;
	[sflag:s8] =	ssyncset.done $0x0  }
0x32: {  	s17 =	sadd.s32 $0xFFFFFF38, s15;
	[sflag:s8] =	ssyncadd.s32 $0xFFFF9C00  }
0x33: {  	[tilespmem:s11], [sflag:$0x2] =	stream.indirect.gather [hbm4b:s2+s9], $0x80, s17, s9, $0xb8;
	[tilespmem:$0xDC00] =	vst v63  }
0x34: {  	_ =	swait.ge [sflag:s12], $0x6400  }
0x35: {  	[sflag:s12] =	ssyncset.done $0x0  }
0x36: {  	s16 =	sadd.s32 s16, s7;
	[sflag:s12] =	ssyncadd.s32 $0xFFFF9C00  }
0x37: {  	[hbm4b:s16+s3] =	stream.linear.scatter [tilespmem:s10], [sflag:$0x3], $0x6400, $0x38;
	[tilespmem:$0xDC00] =	vst v63  }
0x38: {  	_ =	swait.ge [sflag:s8], $0x6400  }
0x39: {  	[sflag:s8] =	ssyncset.done $0x0  }
0x3a: {  	[sflag:s8] =	ssyncadd.s32 $0xFFFF9C00  }
0x3b: {  	[tilespmem:s10], [sflag:$0x1] =	stream.indirect.gather [hbm4b:s2+s9], $0x80, s15, s9, $0xb8;
	[tilespmem:$0xDC00] =	vst v63  }
0x3c: {  	_ =	swait.ge [sflag:s13], $0x6400  }
0x3d: {  	[sflag:s13] =	ssyncset.done $0x0  }
0x3e: {  	s31 =	sadd.s32 $0xC80, s16;
	[sflag:s13] =	ssyncadd.s32 $0xFFFF9C00  }
0x3f: {  	[hbm4b:s31+s3] =	stream.linear.scatter [tilespmem:s11], [sflag:$0x3], $0x6400, $0x38;
	[tilespmem:$0xDC00] =	vst v63  }
0x40: {  	_ =	swait.ge [sflag:s8], $0x6400  }
0x41: {  	[sflag:s8] =	ssyncset.done $0x0  }
0x42: {  	[sflag:s8] =	ssyncadd.s32 $0xFFFF9C00  }
0x43: {  	s14 =	sadd.s32 $0x1, s14;
	_ =	swait.ge [sflag:s12], $0x6400  }
0x44: {  	p0 =	sne.s32 s14, s6;
	[sflag:s12] =	ssyncset.done $0x0  }
.Ltmp1:
0x45: {  	[sflag:s12] =	ssyncadd.s32 $0xFFFF9C00;
	(pc) =	sbr.rel @p0 .LBB2_1-.Ltmp1, $4  }
0x46: {  	[hbm4b:s5+s3] =	stream.linear.scatter [tilespmem:s10], [sflag:$0x3], $0x6400, $0x38;
	[tilespmem:$0xDC00] =	vst v63  }
0x47: {  	_ =	swait.ge [sflag:s8], $0x6400  }
0x48: {  	[sflag:s8] =	ssyncset.done $0x0  }
0x49: {  	[sflag:s8] =	ssyncadd.s32 $0xFFFF9C00  }
0x4a: {  	_ =	sfence.sel $0x180000  }
0x4b: {  	[bflag:$0x0] =	sbarrier.arrive $0xFFFF  }
0x4c: {  	p0 =	sne.s32 s0, $0x0;
	_ =	strace $0x90000047  }
0x4d: {  	s0 =	sadd.s32 @!p0 $0x100000, s1;
	[bflag:$0x2] =	sbarrier.arrive $0xFFFF  }
0x4e: {  	[sflag:s0] =	ssyncadd.tile.s32 @!p0 $0x1;
	_ =	shalt  }
.Lfunc_end2:
_tile_overlayer_lowered:
.L_overlay_start_2:
0x4f: {  	(tag) =	ssettag $0x2  }
0x50: {  	s0 =	rddreg [dreg:$0x0];
	s2 =	stileid.u32  }
0x51: {  	s1 =	rddreg [dreg:$0x1];
	p0 =	sne.s32 s2, $0x0  }
0x52: {  	s3 =	rddreg [dreg:$0x2];
	[bflag:$0x3] =	sbarrier.arrive $0xFFFF;
	s2 =	simm.s32 @!p0 $0x1C03  }
0x53: {  	[timem:s3], [sflag:s2] =	dma.local @!p0 [hbm:s0], s1  }
0x54: {  	s0 =	simm.s32 @!p0 $0x3  }
0x55: {  	_ =	swait.ge @!p0 [sflag:s0], s1  }
0x56: {  	s1 =	ssub.s32 @!p0 $0x0, s1;
	[sflag:s0] =	ssyncset.done @!p0 $0x0  }
0x57: {  	[sflag:s0] =	ssyncadd.s32 @!p0 s1  }
0x58: {  	[bflag:$0x3] =	sbarrier.arrive $0xFFFF  }
0x59: {  	_ =	shalt  }

</sc_bundles>
